<compile_context>
chip_gen: v7x
topology: tpu7x:2x2x1
jax: 0.10.2.dev20260603
libtpu: 0.0.44.dev20260713+nightly
codegen_flags: <defaults>
</compile_context>

<pallas_src>
import jax
import jax.numpy as jnp
from jax.experimental import pallas as pl
from jax.experimental.pallas import tpu as pltpu

C = 224
H = 512
W = 512
NPIX = H * W
K = 64


def _halve_sum(d, rows=1):
    while d.shape[0] > rows:
        h = d.shape[0] // 2
        d = d[:h] + d[h:]
    return d


def _two_sum(a, b):
    s = a + b
    bb = s - a
    e = (a - bb) + (b - (s - bb))
    return s, e


def _dd_add(xh, xl, yh, yl):
    s, e = _two_sum(xh, yh)
    e = e + (xl + yl)
    hi = s + e
    lo = e - (hi - s)
    return hi, lo


def _dd_halve(hi, lo):
    while hi.shape[0] > 1:
        h = hi.shape[0] // 2
        hi, lo = _dd_add(hi[:h], lo[:h], hi[h:], lo[h:])
    return hi, lo


def _halve_minmax(d, fn, rows=8):
    while d.shape[0] > rows:
        h = d.shape[0] // 2
        d = fn(d[:h], d[h:])
    return d


def _row_to_col(row):
    L = row.shape[1]
    sub = jax.lax.broadcasted_iota(jnp.int32, (L, L), 0)
    lane = jax.lax.broadcasted_iota(jnp.int32, (L, L), 1)
    d = jnp.where(sub == lane, row, 0.0)
    return jnp.sum(d, axis=1, keepdims=True)


def _stats_kernel(x_ref, o_ref):
    d = x_ref[0]
    o_ref[0, 0:8, :] = _halve_sum(d, 8)
    o_ref[0, 8:16, :] = _halve_sum(d * d, 8)
    o_ref[0, 16:24, :] = _halve_minmax(d, jnp.minimum)
    o_ref[0, 24:32, :] = _halve_minmax(d, jnp.maximum)


def _dd_tree8(planes):
    p01 = _two_sum(planes[0], planes[1])
    p23 = _two_sum(planes[2], planes[3])
    p45 = _two_sum(planes[4], planes[5])
    p67 = _two_sum(planes[6], planes[7])
    a = _dd_add(*p01, *p23)
    b = _dd_add(*p45, *p67)
    return _dd_add(*a, *b)


def _select_kernel(st_ref, idx_ref, norm_ref):
    st = st_ref[...]
    sp_hi, sp_lo = _dd_tree8([st[:, r, :] for r in range(8)])
    qp_hi, qp_lo = _dd_tree8([st[:, 8 + r, :] for r in range(8)])
    sT_hi = jnp.transpose(sp_hi)
    sT_lo = jnp.transpose(sp_lo)
    ssT_hi = jnp.transpose(qp_hi)
    ssT_lo = jnp.transpose(qp_lo)
    s_hi, s_lo = _dd_halve(sT_hi, sT_lo)
    ss_hi, ss_lo = _dd_halve(ssT_hi, ssT_lo)
    inv_n = 1.0 / NPIX
    t = s_hi * s_hi * inv_n
    t2 = 2.0 * s_hi * s_lo * inv_n
    vr_hi, vr_lo = _dd_add(ss_hi, ss_lo, -t, -t2)
    v_hi = _row_to_col(vr_hi)
    v_lo = _row_to_col(vr_lo)
    sub = jax.lax.broadcasted_iota(jnp.int32, (C, C), 0)
    lane = jax.lax.broadcasted_iota(jnp.int32, (C, C), 1)
    gt = ((vr_hi > v_hi)
          | ((vr_hi == v_hi) & (vr_lo > v_lo))
          | ((vr_hi == v_hi) & (vr_lo == v_lo) & (lane < sub)))
    rank = jnp.sum(gt.astype(jnp.int32), axis=1, keepdims=True)
    rank3 = rank.reshape(C, 1, 1)
    slot = (jax.lax.broadcasted_iota(jnp.int32, (C, 8, 128), 1) * 128
            + jax.lax.broadcasted_iota(jnp.int32, (C, 8, 128), 2))
    band = jax.lax.broadcasted_iota(jnp.int32, (C, 8, 128), 0)
    idx_ref[...] = jnp.sum(jnp.where(rank3 == slot, band, 0), axis=0)
    mn_g = jnp.min(st[:, 16:24, :])
    mx_g = jnp.max(st[:, 24:32, :])
    inv = 1.0 / (mx_g - mn_g)
    sub8 = jax.lax.broadcasted_iota(jnp.int32, (8, 128), 0)
    norm_ref[...] = jnp.where(sub8 == 0, mn_g,
                    jnp.where(sub8 == 1, inv, 0.0))


def _gather_kernel(idx_ref, x_ref, norm_ref, o_ref):
    mn = norm_ref[0, 0]
    inv = norm_ref[1, 0]
    o_ref[...] = (x_ref[...] - mn) * inv


def kernel(x):
    stats = pl.pallas_call(
        _stats_kernel,
        grid=(C,),
        in_specs=[pl.BlockSpec((1, H, W), lambda i: (i, 0, 0))],
        out_specs=pl.BlockSpec((1, 32, W), lambda i: (i, 0, 0)),
        out_shape=jax.ShapeDtypeStruct((C, 32, W), jnp.float32),
    )(x)

    idx_mat, norm = pl.pallas_call(
        _select_kernel,
        out_shape=(jax.ShapeDtypeStruct((8, 128), jnp.int32),
                   jax.ShapeDtypeStruct((8, 128), jnp.float32)),
    )(stats)

    idx = idx_mat.reshape(-1)[:K]

    out = pl.pallas_call(
        _gather_kernel,
        grid_spec=pltpu.PrefetchScalarGridSpec(
            num_scalar_prefetch=1,
            grid=(K,),
            in_specs=[
                pl.BlockSpec((1, H, W), lambda i, idx_ref: (idx_ref[i], 0, 0)),
                pl.BlockSpec((8, 128), lambda i, idx_ref: (0, 0)),
            ],
            out_specs=pl.BlockSpec((1, H, W), lambda i, idx_ref: (i, 0, 0)),
        ),
        out_shape=jax.ShapeDtypeStruct((K, H, W), jnp.float32),
    )(idx, x, norm)

    return out.reshape(K, NPIX)

# --- scband reference (transcript-rebuilt; emitter-appended) ---
"""Pipeline reference for scband-hyperspectral-transform-49160195670208 (READ-ONLY COPY).

The authoritative reference and input builder live on the scoring server;
editing this copy changes nothing except your own understanding.
"""

import jax, jax.numpy as jnp
import numpy as np

OUTPUT_CHANNELS = 64
NORMALIZE = True

def setup_inputs(seed: int = 0) -> dict:
    key = jax.random.key(seed)
    x = jax.random.normal(key, (224, 512, 512), dtype=jnp.float32)
    return {"x": x}

def reference(x):
    C, H, W = x.shape
    if NORMALIZE:
        mn = jnp.min(x)
        mx = jnp.max(x)
        x = (x - mn) / (mx - mn)  # normalize_to_range with min_val=0, max_val=1
    # select_bands_with_highest_variance (torch.var uses unbiased estimator -> ddof=1)
    band_variances = jnp.var(x, axis=(1, 2), ddof=1)
    _, selected_indices = jax.lax.top_k(band_variances, OUTPUT_CHANNELS)
    x = jnp.take(x, selected_indices, axis=0)
    return x.reshape(OUTPUT_CHANNELS, -1)

if __name__ == "__main__":
    import jax
    _d = setup_inputs()
    print(jax.jit(kernel)(*tuple(_d.values())))

</pallas_src>

<mosaic_0001>
module attributes {stable_mosaic.version = 14 : i64} {
  func.func @_stats_kernel(%arg0: i32, %arg1: memref<1x512x512xf32, #tpu.memory_space<vmem>>, %arg2: memref<1x32x512xf32, #tpu.memory_space<vmem>>) attributes {dimension_semantics = [#tpu.dimension_semantics<arbitrary>], iteration_bounds = array<i64: 224>, scalar_prefetch = 0 : i64, scratch_operands = 0 : i64, tpu.core_type = #tpu.core_type<tc>, window_params = [{transform_indices = @transform_0, window_bounds = array<i64: 1, 512, 512>}, {transform_indices = @transform_1, window_bounds = array<i64: 1, 32, 512>}]} {
    %get3A = arith.constant 0 : index
    %get3A_0 = arith.constant 0 : index
    %get3A_1 = arith.constant 0 : index
    %get3A_2 = vector.load %arg1[%get3A, %get3A_0, %get3A_1] : memref<1x512x512xf32, #tpu.memory_space<vmem>>, vector<1x512x512xf32>
    %get3A_3 = vector.shape_cast %get3A_2 : vector<1x512x512xf32> to vector<512x512xf32>
    %slice3A = vector.extract_strided_slice %get3A_3 {offsets = [0, 0], sizes = [256, 512], strides = [1, 1]} : vector<512x512xf32> to vector<256x512xf32>
    %slice3A_4 = vector.extract_strided_slice %get3A_3 {offsets = [256, 0], sizes = [256, 512], strides = [1, 1]} : vector<512x512xf32> to vector<256x512xf32>
    %add3A = arith.addf %slice3A, %slice3A_4 : vector<256x512xf32>
    %slice3A_5 = vector.extract_strided_slice %add3A {offsets = [0, 0], sizes = [128, 512], strides = [1, 1]} : vector<256x512xf32> to vector<128x512xf32>
    %slice3A_6 = vector.extract_strided_slice %add3A {offsets = [128, 0], sizes = [128, 512], strides = [1, 1]} : vector<256x512xf32> to vector<128x512xf32>
    %add3A_7 = arith.addf %slice3A_5, %slice3A_6 : vector<128x512xf32>
    %slice3A_8 = vector.extract_strided_slice %add3A_7 {offsets = [0, 0], sizes = [64, 512], strides = [1, 1]} : vector<128x512xf32> to vector<64x512xf32>
    %slice3A_9 = vector.extract_strided_slice %add3A_7 {offsets = [64, 0], sizes = [64, 512], strides = [1, 1]} : vector<128x512xf32> to vector<64x512xf32>
    %add3A_10 = arith.addf %slice3A_8, %slice3A_9 : vector<64x512xf32>
    %slice3A_11 = vector.extract_strided_slice %add3A_10 {offsets = [0, 0], sizes = [32, 512], strides = [1, 1]} : vector<64x512xf32> to vector<32x512xf32>
    %slice3A_12 = vector.extract_strided_slice %add3A_10 {offsets = [32, 0], sizes = [32, 512], strides = [1, 1]} : vector<64x512xf32> to vector<32x512xf32>
    %add3A_13 = arith.addf %slice3A_11, %slice3A_12 : vector<32x512xf32>
    %slice3A_14 = vector.extract_strided_slice %add3A_13 {offsets = [0, 0], sizes = [16, 512], strides = [1, 1]} : vector<32x512xf32> to vector<16x512xf32>
    %slice3A_15 = vector.extract_strided_slice %add3A_13 {offsets = [16, 0], sizes = [16, 512], strides = [1, 1]} : vector<32x512xf32> to vector<16x512xf32>
    %add3A_16 = arith.addf %slice3A_14, %slice3A_15 : vector<16x512xf32>
    %slice3A_17 = vector.extract_strided_slice %add3A_16 {offsets = [0, 0], sizes = [8, 512], strides = [1, 1]} : vector<16x512xf32> to vector<8x512xf32>
    %slice3A_18 = vector.extract_strided_slice %add3A_16 {offsets = [8, 0], sizes = [8, 512], strides = [1, 1]} : vector<16x512xf32> to vector<8x512xf32>
    %add3A_19 = arith.addf %slice3A_17, %slice3A_18 : vector<8x512xf32>
    %swap3A = arith.constant 0 : index
    %swap3A_20 = arith.constant 0 : index
    %swap3A_21 = arith.constant 0 : index
    %swap3A_22 = vector.load %arg2[%swap3A, %swap3A_20, %swap3A_21] : memref<1x32x512xf32, #tpu.memory_space<vmem>>, vector<1x8x512xf32>
    %swap3A_23 = vector.shape_cast %swap3A_22 : vector<1x8x512xf32> to vector<8x512xf32>
    %swap3A_24 = vector.shape_cast %add3A_19 : vector<8x512xf32> to vector<1x8x512xf32>
    tpu.vector_store %arg2[%swap3A, %swap3A_20, %swap3A_21], %swap3A_24 {strides = array<i32>} : memref<1x32x512xf32, #tpu.memory_space<vmem>>, vector<1x8x512xf32>,
    %mul3A = arith.mulf %get3A_3, %get3A_3 : vector<512x512xf32>
    %slice3A_25 = vector.extract_strided_slice %mul3A {offsets = [0, 0], sizes = [256, 512], strides = [1, 1]} : vector<512x512xf32> to vector<256x512xf32>
    %slice3A_26 = vector.extract_strided_slice %mul3A {offsets = [256, 0], sizes = [256, 512], strides = [1, 1]} : vector<512x512xf32> to vector<256x512xf32>
    %add3A_27 = arith.addf %slice3A_25, %slice3A_26 : vector<256x512xf32>
    %slice3A_28 = vector.extract_strided_slice %add3A_27 {offsets = [0, 0], sizes = [128, 512], strides = [1, 1]} : vector<256x512xf32> to vector<128x512xf32>
    %slice3A_29 = vector.extract_strided_slice %add3A_27 {offsets = [128, 0], sizes = [128, 512], strides = [1, 1]} : vector<256x512xf32> to vector<128x512xf32>
    %add3A_30 = arith.addf %slice3A_28, %slice3A_29 : vector<128x512xf32>
    %slice3A_31 = vector.extract_strided_slice %add3A_30 {offsets = [0, 0], sizes = [64, 512], strides = [1, 1]} : vector<128x512xf32> to vector<64x512xf32>
    %slice3A_32 = vector.extract_strided_slice %add3A_30 {offsets = [64, 0], sizes = [64, 512], strides = [1, 1]} : vector<128x512xf32> to vector<64x512xf32>
    %add3A_33 = arith.addf %slice3A_31, %slice3A_32 : vector<64x512xf32>
    %slice3A_34 = vector.extract_strided_slice %add3A_33 {offsets = [0, 0], sizes = [32, 512], strides = [1, 1]} : vector<64x512xf32> to vector<32x512xf32>
    %slice3A_35 = vector.extract_strided_slice %add3A_33 {offsets = [32, 0], sizes = [32, 512], strides = [1, 1]} : vector<64x512xf32> to vector<32x512xf32>
    %add3A_36 = arith.addf %slice3A_34, %slice3A_35 : vector<32x512xf32>
    %slice3A_37 = vector.extract_strided_slice %add3A_36 {offsets = [0, 0], sizes = [16, 512], strides = [1, 1]} : vector<32x512xf32> to vector<16x512xf32>
    %slice3A_38 = vector.extract_strided_slice %add3A_36 {offsets = [16, 0], sizes = [16, 512], strides = [1, 1]} : vector<32x512xf32> to vector<16x512xf32>
    %add3A_39 = arith.addf %slice3A_37, %slice3A_38 : vector<16x512xf32>
    %slice3A_40 = vector.extract_strided_slice %add3A_39 {offsets = [0, 0], sizes = [8, 512], strides = [1, 1]} : vector<16x512xf32> to vector<8x512xf32>
    %slice3A_41 = vector.extract_strided_slice %add3A_39 {offsets = [8, 0], sizes = [8, 512], strides = [1, 1]} : vector<16x512xf32> to vector<8x512xf32>
    %add3A_42 = arith.addf %slice3A_40, %slice3A_41 : vector<8x512xf32>
    %swap3A_43 = arith.constant 0 : index
    %swap3A_44 = arith.constant 8 : index
    %swap3A_45 = arith.constant 0 : index
    %swap3A_46 = vector.load %arg2[%swap3A_43, %swap3A_44, %swap3A_45] : memref<1x32x512xf32, #tpu.memory_space<vmem>>, vector<1x8x512xf32>
    %swap3A_47 = vector.shape_cast %swap3A_46 : vector<1x8x512xf32> to vector<8x512xf32>
    %swap3A_48 = vector.shape_cast %add3A_42 : vector<8x512xf32> to vector<1x8x512xf32>
    tpu.vector_store %arg2[%swap3A_43, %swap3A_44, %swap3A_45], %swap3A_48 {strides = array<i32>} : memref<1x32x512xf32, #tpu.memory_space<vmem>>, vector<1x8x512xf32>,
    %slice3A_49 = vector.extract_strided_slice %get3A_3 {offsets = [0, 0], sizes = [256, 512], strides = [1, 1]} : vector<512x512xf32> to vector<256x512xf32>
    %slice3A_50 = vector.extract_strided_slice %get3A_3 {offsets = [256, 0], sizes = [256, 512], strides = [1, 1]} : vector<512x512xf32> to vector<256x512xf32>
    %min3A = arith.minimumf %slice3A_49, %slice3A_50 : vector<256x512xf32>
    %slice3A_51 = vector.extract_strided_slice %min3A {offsets = [0, 0], sizes = [128, 512], strides = [1, 1]} : vector<256x512xf32> to vector<128x512xf32>
    %slice3A_52 = vector.extract_strided_slice %min3A {offsets = [128, 0], sizes = [128, 512], strides = [1, 1]} : vector<256x512xf32> to vector<128x512xf32>
    %min3A_53 = arith.minimumf %slice3A_51, %slice3A_52 : vector<128x512xf32>
    %slice3A_54 = vector.extract_strided_slice %min3A_53 {offsets = [0, 0], sizes = [64, 512], strides = [1, 1]} : vector<128x512xf32> to vector<64x512xf32>
    %slice3A_55 = vector.extract_strided_slice %min3A_53 {offsets = [64, 0], sizes = [64, 512], strides = [1, 1]} : vector<128x512xf32> to vector<64x512xf32>
    %min3A_56 = arith.minimumf %slice3A_54, %slice3A_55 : vector<64x512xf32>
    %slice3A_57 = vector.extract_strided_slice %min3A_56 {offsets = [0, 0], sizes = [32, 512], strides = [1, 1]} : vector<64x512xf32> to vector<32x512xf32>
    %slice3A_58 = vector.extract_strided_slice %min3A_56 {offsets = [32, 0], sizes = [32, 512], strides = [1, 1]} : vector<64x512xf32> to vector<32x512xf32>
    %min3A_59 = arith.minimumf %slice3A_57, %slice3A_58 : vector<32x512xf32>
    %slice3A_60 = vector.extract_strided_slice %min3A_59 {offsets = [0, 0], sizes = [16, 512], strides = [1, 1]} : vector<32x512xf32> to vector<16x512xf32>
    %slice3A_61 = vector.extract_strided_slice %min3A_59 {offsets = [16, 0], sizes = [16, 512], strides = [1, 1]} : vector<32x512xf32> to vector<16x512xf32>
    %min3A_62 = arith.minimumf %slice3A_60, %slice3A_61 : vector<16x512xf32>
    %slice3A_63 = vector.extract_strided_slice %min3A_62 {offsets = [0, 0], sizes = [8, 512], strides = [1, 1]} : vector<16x512xf32> to vector<8x512xf32>
    %slice3A_64 = vector.extract_strided_slice %min3A_62 {offsets = [8, 0], sizes = [8, 512], strides = [1, 1]} : vector<16x512xf32> to vector<8x512xf32>
    %min3A_65 = arith.minimumf %slice3A_63, %slice3A_64 : vector<8x512xf32>
    %swap3A_66 = arith.constant 0 : index
    %swap3A_67 = arith.constant 16 : index
    %swap3A_68 = arith.constant 0 : index
    %swap3A_69 = vector.load %arg2[%swap3A_66, %swap3A_67, %swap3A_68] : memref<1x32x512xf32, #tpu.memory_space<vmem>>, vector<1x8x512xf32>
    %swap3A_70 = vector.shape_cast %swap3A_69 : vector<1x8x512xf32> to vector<8x512xf32>
    %swap3A_71 = vector.shape_cast %min3A_65 : vector<8x512xf32> to vector<1x8x512xf32>
    tpu.vector_store %arg2[%swap3A_66, %swap3A_67, %swap3A_68], %swap3A_71 {strides = array<i32>} : memref<1x32x512xf32, #tpu.memory_space<vmem>>, vector<1x8x512xf32>,
    %slice3A_72 = vector.extract_strided_slice %get3A_3 {offsets = [0, 0], sizes = [256, 512], strides = [1, 1]} : vector<512x512xf32> to vector<256x512xf32>
    %slice3A_73 = vector.extract_strided_slice %get3A_3 {offsets = [256, 0], sizes = [256, 512], strides = [1, 1]} : vector<512x512xf32> to vector<256x512xf32>
    %max3A = arith.maximumf %slice3A_72, %slice3A_73 : vector<256x512xf32>
    %slice3A_74 = vector.extract_strided_slice %max3A {offsets = [0, 0], sizes = [128, 512], strides = [1, 1]} : vector<256x512xf32> to vector<128x512xf32>
    %slice3A_75 = vector.extract_strided_slice %max3A {offsets = [128, 0], sizes = [128, 512], strides = [1, 1]} : vector<256x512xf32> to vector<128x512xf32>
    %max3A_76 = arith.maximumf %slice3A_74, %slice3A_75 : vector<128x512xf32>
    %slice3A_77 = vector.extract_strided_slice %max3A_76 {offsets = [0, 0], sizes = [64, 512], strides = [1, 1]} : vector<128x512xf32> to vector<64x512xf32>
    %slice3A_78 = vector.extract_strided_slice %max3A_76 {offsets = [64, 0], sizes = [64, 512], strides = [1, 1]} : vector<128x512xf32> to vector<64x512xf32>
    %max3A_79 = arith.maximumf %slice3A_77, %slice3A_78 : vector<64x512xf32>
    %slice3A_80 = vector.extract_strided_slice %max3A_79 {offsets = [0, 0], sizes = [32, 512], strides = [1, 1]} : vector<64x512xf32> to vector<32x512xf32>
    %slice3A_81 = vector.extract_strided_slice %max3A_79 {offsets = [32, 0], sizes = [32, 512], strides = [1, 1]} : vector<64x512xf32> to vector<32x512xf32>
    %max3A_82 = arith.maximumf %slice3A_80, %slice3A_81 : vector<32x512xf32>
    %slice3A_83 = vector.extract_strided_slice %max3A_82 {offsets = [0, 0], sizes = [16, 512], strides = [1, 1]} : vector<32x512xf32> to vector<16x512xf32>
    %slice3A_84 = vector.extract_strided_slice %max3A_82 {offsets = [16, 0], sizes = [16, 512], strides = [1, 1]} : vector<32x512xf32> to vector<16x512xf32>
    %max3A_85 = arith.maximumf %slice3A_83, %slice3A_84 : vector<16x512xf32>
    %slice3A_86 = vector.extract_strided_slice %max3A_85 {offsets = [0, 0], sizes = [8, 512], strides = [1, 1]} : vector<16x512xf32> to vector<8x512xf32>
    %slice3A_87 = vector.extract_strided_slice %max3A_85 {offsets = [8, 0], sizes = [8, 512], strides = [1, 1]} : vector<16x512xf32> to vector<8x512xf32>
    %max3A_88 = arith.maximumf %slice3A_86, %slice3A_87 : vector<8x512xf32>
    %swap3A_89 = arith.constant 0 : index
    %swap3A_90 = arith.constant 24 : index
    %swap3A_91 = arith.constant 0 : index
    %swap3A_92 = vector.load %arg2[%swap3A_89, %swap3A_90, %swap3A_91] : memref<1x32x512xf32, #tpu.memory_space<vmem>>, vector<1x8x512xf32>
    %swap3A_93 = vector.shape_cast %swap3A_92 : vector<1x8x512xf32> to vector<8x512xf32>
    %swap3A_94 = vector.shape_cast %max3A_88 : vector<8x512xf32> to vector<1x8x512xf32>
    tpu.vector_store %arg2[%swap3A_89, %swap3A_90, %swap3A_91], %swap3A_94 {strides = array<i32>} : memref<1x32x512xf32, #tpu.memory_space<vmem>>, vector<1x8x512xf32>,
    return
  }
  func.func @transform_0(%arg0: i32) -> (i32, i32, i32) {
    %c0_i32 = arith.constant 0 : i32
    %c0_i32_0 = arith.constant 0 : i32
    %c0_i32_1 = arith.constant 0 : i32
    return %arg0, %c0_i32, %c0_i32_0 : i32, i32, i32
  }
  func.func @transform_1(%arg0: i32) -> (i32, i32, i32) {
    %c0_i32 = arith.constant 0 : i32
    %c0_i32_0 = arith.constant 0 : i32
    %c0_i32_1 = arith.constant 0 : i32
    return %arg0, %c0_i32, %c0_i32_0 : i32, i32, i32
  }
}

module attributes {stable_mosaic.version = 14 : i64} {
  func.func @_gather_kernel(%arg0: i32, %arg1: memref<64xi32, #tpu.memory_space<smem>>, %arg2: memref<1x512x512xf32, #tpu.memory_space<vmem>>, %arg3: memref<8x128xf32, #tpu.memory_space<vmem>>, %arg4: memref<1x512x512xf32, #tpu.memory_space<vmem>>) attributes {dimension_semantics = [#tpu.dimension_semantics<arbitrary>], iteration_bounds = array<i64: 64>, scalar_prefetch = 1 : i64, scratch_operands = 0 : i64, tpu.core_type = #tpu.core_type<tc>, window_params = [{transform_indices = @transform_0, window_bounds = array<i64: 1, 512, 512>}, {pipeline_mode = #tpu.pipeline_mode<synchronous>, transform_indices = @transform_1, window_bounds = array<i64: 8, 128>}, {transform_indices = @transform_2, window_bounds = array<i64: 1, 512, 512>}]} {
    %get3A = arith.constant 0 : index
    %get3A_0 = arith.constant 0 : index
    %get3A_1 = vector.load %arg3[%get3A, %get3A_0] : memref<8x128xf32, #tpu.memory_space<vmem>>, vector<1x1xf32>
    %get3A_2 = vector.extract %get3A_1[0, 0] : f32 from vector<1x1xf32>
    %get3A_3 = arith.constant 1 : index
    %get3A_4 = arith.constant 0 : index
    %get3A_5 = vector.load %arg3[%get3A_3, %get3A_4] : memref<8x128xf32, #tpu.memory_space<vmem>>, vector<1x1xf32>
    %get3A_6 = vector.extract %get3A_5[0, 0] : f32 from vector<1x1xf32>
    %get3A_7 = arith.constant 0 : index
    %get3A_8 = arith.constant 0 : index
    %get3A_9 = arith.constant 0 : index
    %get3A_10 = vector.load %arg2[%get3A_7, %get3A_8, %get3A_9] : memref<1x512x512xf32, #tpu.memory_space<vmem>>, vector<1x512x512xf32>
    %sub3A = vector.broadcast %get3A_2 : f32 to vector<1x512x512xf32>
    %sub3A_11 = arith.subf %get3A_10, %sub3A : vector<1x512x512xf32>
    %mul3A = vector.broadcast %get3A_6 : f32 to vector<1x512x512xf32>
    %mul3A_12 = arith.mulf %sub3A_11, %mul3A : vector<1x512x512xf32>
    %swap3A = arith.constant 0 : index
    %swap3A_13 = arith.constant 0 : index
    %swap3A_14 = arith.constant 0 : index
    %swap3A_15 = vector.load %arg4[%swap3A, %swap3A_13, %swap3A_14] : memref<1x512x512xf32, #tpu.memory_space<vmem>>, vector<1x512x512xf32>
    tpu.vector_store %arg4[%swap3A, %swap3A_13, %swap3A_14], %mul3A_12 {strides = array<i32>} : memref<1x512x512xf32, #tpu.memory_space<vmem>>, vector<1x512x512xf32>,
    return
  }
  func.func @transform_0(%arg0: i32, %arg1: memref<64xi32, #tpu.memory_space<smem>>) -> (i32, i32, i32) {
    %get3A = arith.index_cast %arg0 : i32 to index
    %get3A_0 = memref.load %arg1[%get3A] : memref<64xi32, #tpu.memory_space<smem>>
    %c0_i32 = arith.constant 0 : i32
    %c0_i32_1 = arith.constant 0 : i32
    %c0_i32_2 = arith.constant 0 : i32
    return %get3A_0, %c0_i32, %c0_i32_1 : i32, i32, i32
  }
  func.func @transform_1(%arg0: i32, %arg1: memref<64xi32, #tpu.memory_space<smem>>) -> (i32, i32) {
    %c0_i32 = arith.constant 0 : i32
    %c0_i32_0 = arith.constant 0 : i32
    %c0_i32_1 = arith.constant 0 : i32
    return %c0_i32, %c0_i32_0 : i32, i32
  }
  func.func @transform_2(%arg0: i32, %arg1: memref<64xi32, #tpu.memory_space<smem>>) -> (i32, i32, i32) {
    %c0_i32 = arith.constant 0 : i32
    %c0_i32_0 = arith.constant 0 : i32
    %c0_i32_1 = arith.constant 0 : i32
    return %arg0, %c0_i32, %c0_i32_0 : i32, i32, i32
  }
}

module attributes {stable_mosaic.version = 14 : i64} {
  func.func @_select_kernel(%arg0: memref<224x32x512xf32, #tpu.memory_space<vmem>>, %arg1: memref<8x128xi32, #tpu.memory_space<vmem>>, %arg2: memref<8x128xf32, #tpu.memory_space<vmem>>) attributes {dimension_semantics = [], scalar_prefetch = 0 : i64, scratch_operands = 0 : i64, tpu.core_type = #tpu.core_type<tc>} {
    %get3A = arith.constant 0 : index
    %get3A_0 = arith.constant 0 : index
    %get3A_1 = arith.constant 0 : index
    %get3A_2 = vector.load %arg0[%get3A, %get3A_0, %get3A_1] : memref<224x32x512xf32, #tpu.memory_space<vmem>>, vector<224x32x512xf32>
    %slice3A = vector.extract_strided_slice %get3A_2 {offsets = [0, 0, 0], sizes = [224, 1, 512], strides = [1, 1, 1]} : vector<224x32x512xf32> to vector<224x1x512xf32>
    %squeeze3A = vector.shape_cast %slice3A : vector<224x1x512xf32> to vector<224x512xf32>
    %slice3A_3 = vector.extract_strided_slice %get3A_2 {offsets = [0, 1, 0], sizes = [224, 1, 512], strides = [1, 1, 1]} : vector<224x32x512xf32> to vector<224x1x512xf32>
    %squeeze3A_4 = vector.shape_cast %slice3A_3 : vector<224x1x512xf32> to vector<224x512xf32>
    %slice3A_5 = vector.extract_strided_slice %get3A_2 {offsets = [0, 2, 0], sizes = [224, 1, 512], strides = [1, 1, 1]} : vector<224x32x512xf32> to vector<224x1x512xf32>
    %squeeze3A_6 = vector.shape_cast %slice3A_5 : vector<224x1x512xf32> to vector<224x512xf32>
    %slice3A_7 = vector.extract_strided_slice %get3A_2 {offsets = [0, 3, 0], sizes = [224, 1, 512], strides = [1, 1, 1]} : vector<224x32x512xf32> to vector<224x1x512xf32>
    %squeeze3A_8 = vector.shape_cast %slice3A_7 : vector<224x1x512xf32> to vector<224x512xf32>
    %slice3A_9 = vector.extract_strided_slice %get3A_2 {offsets = [0, 4, 0], sizes = [224, 1, 512], strides = [1, 1, 1]} : vector<224x32x512xf32> to vector<224x1x512xf32>
    %squeeze3A_10 = vector.shape_cast %slice3A_9 : vector<224x1x512xf32> to vector<224x512xf32>
    %slice3A_11 = vector.extract_strided_slice %get3A_2 {offsets = [0, 5, 0], sizes = [224, 1, 512], strides = [1, 1, 1]} : vector<224x32x512xf32> to vector<224x1x512xf32>
    %squeeze3A_12 = vector.shape_cast %slice3A_11 : vector<224x1x512xf32> to vector<224x512xf32>
    %slice3A_13 = vector.extract_strided_slice %get3A_2 {offsets = [0, 6, 0], sizes = [224, 1, 512], strides = [1, 1, 1]} : vector<224x32x512xf32> to vector<224x1x512xf32>
    %squeeze3A_14 = vector.shape_cast %slice3A_13 : vector<224x1x512xf32> to vector<224x512xf32>
    %slice3A_15 = vector.extract_strided_slice %get3A_2 {offsets = [0, 7, 0], sizes = [224, 1, 512], strides = [1, 1, 1]} : vector<224x32x512xf32> to vector<224x1x512xf32>
    %squeeze3A_16 = vector.shape_cast %slice3A_15 : vector<224x1x512xf32> to vector<224x512xf32>
    %add3A = arith.addf %squeeze3A, %squeeze3A_4 : vector<224x512xf32>
    %sub3A = arith.subf %add3A, %squeeze3A : vector<224x512xf32>
    %sub3A_17 = arith.subf %squeeze3A, %sub3A : vector<224x512xf32>
    %sub3A_18 = arith.subf %add3A, %sub3A : vector<224x512xf32>
    %sub3A_19 = arith.subf %squeeze3A_4, %sub3A_18 : vector<224x512xf32>
    %add3A_20 = arith.addf %sub3A_17, %sub3A_19 : vector<224x512xf32>
    %add3A_21 = arith.addf %squeeze3A_6, %squeeze3A_8 : vector<224x512xf32>
    %sub3A_22 = arith.subf %add3A_21, %squeeze3A_6 : vector<224x512xf32>
    %sub3A_23 = arith.subf %squeeze3A_6, %sub3A_22 : vector<224x512xf32>
    %sub3A_24 = arith.subf %add3A_21, %sub3A_22 : vector<224x512xf32>
    %sub3A_25 = arith.subf %squeeze3A_8, %sub3A_24 : vector<224x512xf32>
    %add3A_26 = arith.addf %sub3A_23, %sub3A_25 : vector<224x512xf32>
    %add3A_27 = arith.addf %squeeze3A_10, %squeeze3A_12 : vector<224x512xf32>
    %sub3A_28 = arith.subf %add3A_27, %squeeze3A_10 : vector<224x512xf32>
    %sub3A_29 = arith.subf %squeeze3A_10, %sub3A_28 : vector<224x512xf32>
    %sub3A_30 = arith.subf %add3A_27, %sub3A_28 : vector<224x512xf32>
    %sub3A_31 = arith.subf %squeeze3A_12, %sub3A_30 : vector<224x512xf32>
    %add3A_32 = arith.addf %sub3A_29, %sub3A_31 : vector<224x512xf32>
    %add3A_33 = arith.addf %squeeze3A_14, %squeeze3A_16 : vector<224x512xf32>
    %sub3A_34 = arith.subf %add3A_33, %squeeze3A_14 : vector<224x512xf32>
    %sub3A_35 = arith.subf %squeeze3A_14, %sub3A_34 : vector<224x512xf32>
    %sub3A_36 = arith.subf %add3A_33, %sub3A_34 : vector<224x512xf32>
    %sub3A_37 = arith.subf %squeeze3A_16, %sub3A_36 : vector<224x512xf32>
    %add3A_38 = arith.addf %sub3A_35, %sub3A_37 : vector<224x512xf32>
    %add3A_39 = arith.addf %add3A, %add3A_21 : vector<224x512xf32>
    %sub3A_40 = arith.subf %add3A_39, %add3A : vector<224x512xf32>
    %sub3A_41 = arith.subf %add3A, %sub3A_40 : vector<224x512xf32>
    %sub3A_42 = arith.subf %add3A_39, %sub3A_40 : vector<224x512xf32>
    %sub3A_43 = arith.subf %add3A_21, %sub3A_42 : vector<224x512xf32>
    %add3A_44 = arith.addf %sub3A_41, %sub3A_43 : vector<224x512xf32>
    %add3A_45 = arith.addf %add3A_20, %add3A_26 : vector<224x512xf32>
    %add3A_46 = arith.addf %add3A_44, %add3A_45 : vector<224x512xf32>
    %add3A_47 = arith.addf %add3A_39, %add3A_46 : vector<224x512xf32>
    %sub3A_48 = arith.subf %add3A_47, %add3A_39 : vector<224x512xf32>
    %sub3A_49 = arith.subf %add3A_46, %sub3A_48 : vector<224x512xf32>
    %add3A_50 = arith.addf %add3A_27, %add3A_33 : vector<224x512xf32>
    %sub3A_51 = arith.subf %add3A_50, %add3A_27 : vector<224x512xf32>
    %sub3A_52 = arith.subf %add3A_27, %sub3A_51 : vector<224x512xf32>
    %sub3A_53 = arith.subf %add3A_50, %sub3A_51 : vector<224x512xf32>
    %sub3A_54 = arith.subf %add3A_33, %sub3A_53 : vector<224x512xf32>
    %add3A_55 = arith.addf %sub3A_52, %sub3A_54 : vector<224x512xf32>
    %add3A_56 = arith.addf %add3A_32, %add3A_38 : vector<224x512xf32>
    %add3A_57 = arith.addf %add3A_55, %add3A_56 : vector<224x512xf32>
    %add3A_58 = arith.addf %add3A_50, %add3A_57 : vector<224x512xf32>
    %sub3A_59 = arith.subf %add3A_58, %add3A_50 : vector<224x512xf32>
    %sub3A_60 = arith.subf %add3A_57, %sub3A_59 : vector<224x512xf32>
    %add3A_61 = arith.addf %add3A_47, %add3A_58 : vector<224x512xf32>
    %sub3A_62 = arith.subf %add3A_61, %add3A_47 : vector<224x512xf32>
    %sub3A_63 = arith.subf %add3A_47, %sub3A_62 : vector<224x512xf32>
    %sub3A_64 = arith.subf %add3A_61, %sub3A_62 : vector<224x512xf32>
    %sub3A_65 = arith.subf %add3A_58, %sub3A_64 : vector<224x512xf32>
    %add3A_66 = arith.addf %sub3A_63, %sub3A_65 : vector<224x512xf32>
    %add3A_67 = arith.addf %sub3A_49, %sub3A_60 : vector<224x512xf32>
    %add3A_68 = arith.addf %add3A_66, %add3A_67 : vector<224x512xf32>
    %add3A_69 = arith.addf %add3A_61, %add3A_68 : vector<224x512xf32>
    %sub3A_70 = arith.subf %add3A_69, %add3A_61 : vector<224x512xf32>
    %sub3A_71 = arith.subf %add3A_68, %sub3A_70 : vector<224x512xf32>
    %slice3A_72 = vector.extract_strided_slice %get3A_2 {offsets = [0, 8, 0], sizes = [224, 1, 512], strides = [1, 1, 1]} : vector<224x32x512xf32> to vector<224x1x512xf32>
    %squeeze3A_73 = vector.shape_cast %slice3A_72 : vector<224x1x512xf32> to vector<224x512xf32>
    %slice3A_74 = vector.extract_strided_slice %get3A_2 {offsets = [0, 9, 0], sizes = [224, 1, 512], strides = [1, 1, 1]} : vector<224x32x512xf32> to vector<224x1x512xf32>
    %squeeze3A_75 = vector.shape_cast %slice3A_74 : vector<224x1x512xf32> to vector<224x512xf32>
    %slice3A_76 = vector.extract_strided_slice %get3A_2 {offsets = [0, 10, 0], sizes = [224, 1, 512], strides = [1, 1, 1]} : vector<224x32x512xf32> to vector<224x1x512xf32>
    %squeeze3A_77 = vector.shape_cast %slice3A_76 : vector<224x1x512xf32> to vector<224x512xf32>
    %slice3A_78 = vector.extract_strided_slice %get3A_2 {offsets = [0, 11, 0], sizes = [224, 1, 512], strides = [1, 1, 1]} : vector<224x32x512xf32> to vector<224x1x512xf32>
    %squeeze3A_79 = vector.shape_cast %slice3A_78 : vector<224x1x512xf32> to vector<224x512xf32>
    %slice3A_80 = vector.extract_strided_slice %get3A_2 {offsets = [0, 12, 0], sizes = [224, 1, 512], strides = [1, 1, 1]} : vector<224x32x512xf32> to vector<224x1x512xf32>
    %squeeze3A_81 = vector.shape_cast %slice3A_80 : vector<224x1x512xf32> to vector<224x512xf32>
    %slice3A_82 = vector.extract_strided_slice %get3A_2 {offsets = [0, 13, 0], sizes = [224, 1, 512], strides = [1, 1, 1]} : vector<224x32x512xf32> to vector<224x1x512xf32>
    %squeeze3A_83 = vector.shape_cast %slice3A_82 : vector<224x1x512xf32> to vector<224x512xf32>
    %slice3A_84 = vector.extract_strided_slice %get3A_2 {offsets = [0, 14, 0], sizes = [224, 1, 512], strides = [1, 1, 1]} : vector<224x32x512xf32> to vector<224x1x512xf32>
    %squeeze3A_85 = vector.shape_cast %slice3A_84 : vector<224x1x512xf32> to vector<224x512xf32>
    %slice3A_86 = vector.extract_strided_slice %get3A_2 {offsets = [0, 15, 0], sizes = [224, 1, 512], strides = [1, 1, 1]} : vector<224x32x512xf32> to vector<224x1x512xf32>
    %squeeze3A_87 = vector.shape_cast %slice3A_86 : vector<224x1x512xf32> to vector<224x512xf32>
    %add3A_88 = arith.addf %squeeze3A_73, %squeeze3A_75 : vector<224x512xf32>
    %sub3A_89 = arith.subf %add3A_88, %squeeze3A_73 : vector<224x512xf32>
    %sub3A_90 = arith.subf %squeeze3A_73, %sub3A_89 : vector<224x512xf32>
    %sub3A_91 = arith.subf %add3A_88, %sub3A_89 : vector<224x512xf32>
    %sub3A_92 = arith.subf %squeeze3A_75, %sub3A_91 : vector<224x512xf32>
    %add3A_93 = arith.addf %sub3A_90, %sub3A_92 : vector<224x512xf32>
    %add3A_94 = arith.addf %squeeze3A_77, %squeeze3A_79 : vector<224x512xf32>
    %sub3A_95 = arith.subf %add3A_94, %squeeze3A_77 : vector<224x512xf32>
    %sub3A_96 = arith.subf %squeeze3A_77, %sub3A_95 : vector<224x512xf32>
    %sub3A_97 = arith.subf %add3A_94, %sub3A_95 : vector<224x512xf32>
    %sub3A_98 = arith.subf %squeeze3A_79, %sub3A_97 : vector<224x512xf32>
    %add3A_99 = arith.addf %sub3A_96, %sub3A_98 : vector<224x512xf32>
    %add3A_100 = arith.addf %squeeze3A_81, %squeeze3A_83 : vector<224x512xf32>
    %sub3A_101 = arith.subf %add3A_100, %squeeze3A_81 : vector<224x512xf32>
    %sub3A_102 = arith.subf %squeeze3A_81, %sub3A_101 : vector<224x512xf32>
    %sub3A_103 = arith.subf %add3A_100, %sub3A_101 : vector<224x512xf32>
    %sub3A_104 = arith.subf %squeeze3A_83, %sub3A_103 : vector<224x512xf32>
    %add3A_105 = arith.addf %sub3A_102, %sub3A_104 : vector<224x512xf32>
    %add3A_106 = arith.addf %squeeze3A_85, %squeeze3A_87 : vector<224x512xf32>
    %sub3A_107 = arith.subf %add3A_106, %squeeze3A_85 : vector<224x512xf32>
    %sub3A_108 = arith.subf %squeeze3A_85, %sub3A_107 : vector<224x512xf32>
    %sub3A_109 = arith.subf %add3A_106, %sub3A_107 : vector<224x512xf32>
    %sub3A_110 = arith.subf %squeeze3A_87, %sub3A_109 : vector<224x512xf32>
    %add3A_111 = arith.addf %sub3A_108, %sub3A_110 : vector<224x512xf32>
    %add3A_112 = arith.addf %add3A_88, %add3A_94 : vector<224x512xf32>
    %sub3A_113 = arith.subf %add3A_112, %add3A_88 : vector<224x512xf32>
    %sub3A_114 = arith.subf %add3A_88, %sub3A_113 : vector<224x512xf32>
    %sub3A_115 = arith.subf %add3A_112, %sub3A_113 : vector<224x512xf32>
    %sub3A_116 = arith.subf %add3A_94, %sub3A_115 : vector<224x512xf32>
    %add3A_117 = arith.addf %sub3A_114, %sub3A_116 : vector<224x512xf32>
    %add3A_118 = arith.addf %add3A_93, %add3A_99 : vector<224x512xf32>
    %add3A_119 = arith.addf %add3A_117, %add3A_118 : vector<224x512xf32>
    %add3A_120 = arith.addf %add3A_112, %add3A_119 : vector<224x512xf32>
    %sub3A_121 = arith.subf %add3A_120, %add3A_112 : vector<224x512xf32>
    %sub3A_122 = arith.subf %add3A_119, %sub3A_121 : vector<224x512xf32>
    %add3A_123 = arith.addf %add3A_100, %add3A_106 : vector<224x512xf32>
    %sub3A_124 = arith.subf %add3A_123, %add3A_100 : vector<224x512xf32>
    %sub3A_125 = arith.subf %add3A_100, %sub3A_124 : vector<224x512xf32>
    %sub3A_126 = arith.subf %add3A_123, %sub3A_124 : vector<224x512xf32>
    %sub3A_127 = arith.subf %add3A_106, %sub3A_126 : vector<224x512xf32>
    %add3A_128 = arith.addf %sub3A_125, %sub3A_127 : vector<224x512xf32>
    %add3A_129 = arith.addf %add3A_105, %add3A_111 : vector<224x512xf32>
    %add3A_130 = arith.addf %add3A_128, %add3A_129 : vector<224x512xf32>
    %add3A_131 = arith.addf %add3A_123, %add3A_130 : vector<224x512xf32>
    %sub3A_132 = arith.subf %add3A_131, %add3A_123 : vector<224x512xf32>
    %sub3A_133 = arith.subf %add3A_130, %sub3A_132 : vector<224x512xf32>
    %add3A_134 = arith.addf %add3A_120, %add3A_131 : vector<224x512xf32>
    %sub3A_135 = arith.subf %add3A_134, %add3A_120 : vector<224x512xf32>
    %sub3A_136 = arith.subf %add3A_120, %sub3A_135 : vector<224x512xf32>
    %sub3A_137 = arith.subf %add3A_134, %sub3A_135 : vector<224x512xf32>
    %sub3A_138 = arith.subf %add3A_131, %sub3A_137 : vector<224x512xf32>
    %add3A_139 = arith.addf %sub3A_136, %sub3A_138 : vector<224x512xf32>
    %add3A_140 = arith.addf %sub3A_122, %sub3A_133 : vector<224x512xf32>
    %add3A_141 = arith.addf %add3A_139, %add3A_140 : vector<224x512xf32>
    %add3A_142 = arith.addf %add3A_134, %add3A_141 : vector<224x512xf32>
    %sub3A_143 = arith.subf %add3A_142, %add3A_134 : vector<224x512xf32>
    %sub3A_144 = arith.subf %add3A_141, %sub3A_143 : vector<224x512xf32>
    %transpose3A = tpu.transpose %add3A_69, [1, 0] : vector<224x512xf32> -> vector<512x224xf32>
    %transpose3A_145 = tpu.transpose %sub3A_71, [1, 0] : vector<224x512xf32> -> vector<512x224xf32>
    %transpose3A_146 = tpu.transpose %add3A_142, [1, 0] : vector<224x512xf32> -> vector<512x224xf32>
    %transpose3A_147 = tpu.transpose %sub3A_144, [1, 0] : vector<224x512xf32> -> vector<512x224xf32>
    %slice3A_148 = vector.extract_strided_slice %transpose3A {offsets = [0, 0], sizes = [256, 224], strides = [1, 1]} : vector<512x224xf32> to vector<256x224xf32>
    %slice3A_149 = vector.extract_strided_slice %transpose3A_145 {offsets = [0, 0], sizes = [256, 224], strides = [1, 1]} : vector<512x224xf32> to vector<256x224xf32>
    %slice3A_150 = vector.extract_strided_slice %transpose3A {offsets = [256, 0], sizes = [256, 224], strides = [1, 1]} : vector<512x224xf32> to vector<256x224xf32>
    %slice3A_151 = vector.extract_strided_slice %transpose3A_145 {offsets = [256, 0], sizes = [256, 224], strides = [1, 1]} : vector<512x224xf32> to vector<256x224xf32>
    %add3A_152 = arith.addf %slice3A_148, %slice3A_150 : vector<256x224xf32>
    %sub3A_153 = arith.subf %add3A_152, %slice3A_148 : vector<256x224xf32>
    %sub3A_154 = arith.subf %slice3A_148, %sub3A_153 : vector<256x224xf32>
    %sub3A_155 = arith.subf %add3A_152, %sub3A_153 : vector<256x224xf32>
    %sub3A_156 = arith.subf %slice3A_150, %sub3A_155 : vector<256x224xf32>
    %add3A_157 = arith.addf %sub3A_154, %sub3A_156 : vector<256x224xf32>
    %add3A_158 = arith.addf %slice3A_149, %slice3A_151 : vector<256x224xf32>
    %add3A_159 = arith.addf %add3A_157, %add3A_158 : vector<256x224xf32>
    %add3A_160 = arith.addf %add3A_152, %add3A_159 : vector<256x224xf32>
    %sub3A_161 = arith.subf %add3A_160, %add3A_152 : vector<256x224xf32>
    %sub3A_162 = arith.subf %add3A_159, %sub3A_161 : vector<256x224xf32>
    %slice3A_163 = vector.extract_strided_slice %add3A_160 {offsets = [0, 0], sizes = [128, 224], strides = [1, 1]} : vector<256x224xf32> to vector<128x224xf32>
    %slice3A_164 = vector.extract_strided_slice %sub3A_162 {offsets = [0, 0], sizes = [128, 224], strides = [1, 1]} : vector<256x224xf32> to vector<128x224xf32>
    %slice3A_165 = vector.extract_strided_slice %add3A_160 {offsets = [128, 0], sizes = [128, 224], strides = [1, 1]} : vector<256x224xf32> to vector<128x224xf32>
    %slice3A_166 = vector.extract_strided_slice %sub3A_162 {offsets = [128, 0], sizes = [128, 224], strides = [1, 1]} : vector<256x224xf32> to vector<128x224xf32>
    %add3A_167 = arith.addf %slice3A_163, %slice3A_165 : vector<128x224xf32>
    %sub3A_168 = arith.subf %add3A_167, %slice3A_163 : vector<128x224xf32>
    %sub3A_169 = arith.subf %slice3A_163, %sub3A_168 : vector<128x224xf32>
    %sub3A_170 = arith.subf %add3A_167, %sub3A_168 : vector<128x224xf32>
    %sub3A_171 = arith.subf %slice3A_165, %sub3A_170 : vector<128x224xf32>
    %add3A_172 = arith.addf %sub3A_169, %sub3A_171 : vector<128x224xf32>
    %add3A_173 = arith.addf %slice3A_164, %slice3A_166 : vector<128x224xf32>
    %add3A_174 = arith.addf %add3A_172, %add3A_173 : vector<128x224xf32>
    %add3A_175 = arith.addf %add3A_167, %add3A_174 : vector<128x224xf32>
    %sub3A_176 = arith.subf %add3A_175, %add3A_167 : vector<128x224xf32>
    %sub3A_177 = arith.subf %add3A_174, %sub3A_176 : vector<128x224xf32>
    %slice3A_178 = vector.extract_strided_slice %add3A_175 {offsets = [0, 0], sizes = [64, 224], strides = [1, 1]} : vector<128x224xf32> to vector<64x224xf32>
    %slice3A_179 = vector.extract_strided_slice %sub3A_177 {offsets = [0, 0], sizes = [64, 224], strides = [1, 1]} : vector<128x224xf32> to vector<64x224xf32>
    %slice3A_180 = vector.extract_strided_slice %add3A_175 {offsets = [64, 0], sizes = [64, 224], strides = [1, 1]} : vector<128x224xf32> to vector<64x224xf32>
    %slice3A_181 = vector.extract_strided_slice %sub3A_177 {offsets = [64, 0], sizes = [64, 224], strides = [1, 1]} : vector<128x224xf32> to vector<64x224xf32>
    %add3A_182 = arith.addf %slice3A_178, %slice3A_180 : vector<64x224xf32>
    %sub3A_183 = arith.subf %add3A_182, %slice3A_178 : vector<64x224xf32>
    %sub3A_184 = arith.subf %slice3A_178, %sub3A_183 : vector<64x224xf32>
    %sub3A_185 = arith.subf %add3A_182, %sub3A_183 : vector<64x224xf32>
    %sub3A_186 = arith.subf %slice3A_180, %sub3A_185 : vector<64x224xf32>
    %add3A_187 = arith.addf %sub3A_184, %sub3A_186 : vector<64x224xf32>
    %add3A_188 = arith.addf %slice3A_179, %slice3A_181 : vector<64x224xf32>
    %add3A_189 = arith.addf %add3A_187, %add3A_188 : vector<64x224xf32>
    %add3A_190 = arith.addf %add3A_182, %add3A_189 : vector<64x224xf32>
    %sub3A_191 = arith.subf %add3A_190, %add3A_182 : vector<64x224xf32>
    %sub3A_192 = arith.subf %add3A_189, %sub3A_191 : vector<64x224xf32>
    %slice3A_193 = vector.extract_strided_slice %add3A_190 {offsets = [0, 0], sizes = [32, 224], strides = [1, 1]} : vector<64x224xf32> to vector<32x224xf32>
    %slice3A_194 = vector.extract_strided_slice %sub3A_192 {offsets = [0, 0], sizes = [32, 224], strides = [1, 1]} : vector<64x224xf32> to vector<32x224xf32>
    %slice3A_195 = vector.extract_strided_slice %add3A_190 {offsets = [32, 0], sizes = [32, 224], strides = [1, 1]} : vector<64x224xf32> to vector<32x224xf32>
    %slice3A_196 = vector.extract_strided_slice %sub3A_192 {offsets = [32, 0], sizes = [32, 224], strides = [1, 1]} : vector<64x224xf32> to vector<32x224xf32>
    %add3A_197 = arith.addf %slice3A_193, %slice3A_195 : vector<32x224xf32>
    %sub3A_198 = arith.subf %add3A_197, %slice3A_193 : vector<32x224xf32>
    %sub3A_199 = arith.subf %slice3A_193, %sub3A_198 : vector<32x224xf32>
    %sub3A_200 = arith.subf %add3A_197, %sub3A_198 : vector<32x224xf32>
    %sub3A_201 = arith.subf %slice3A_195, %sub3A_200 : vector<32x224xf32>
    %add3A_202 = arith.addf %sub3A_199, %sub3A_201 : vector<32x224xf32>
    %add3A_203 = arith.addf %slice3A_194, %slice3A_196 : vector<32x224xf32>
    %add3A_204 = arith.addf %add3A_202, %add3A_203 : vector<32x224xf32>
    %add3A_205 = arith.addf %add3A_197, %add3A_204 : vector<32x224xf32>
    %sub3A_206 = arith.subf %add3A_205, %add3A_197 : vector<32x224xf32>
    %sub3A_207 = arith.subf %add3A_204, %sub3A_206 : vector<32x224xf32>
    %slice3A_208 = vector.extract_strided_slice %add3A_205 {offsets = [0, 0], sizes = [16, 224], strides = [1, 1]} : vector<32x224xf32> to vector<16x224xf32>
    %slice3A_209 = vector.extract_strided_slice %sub3A_207 {offsets = [0, 0], sizes = [16, 224], strides = [1, 1]} : vector<32x224xf32> to vector<16x224xf32>
    %slice3A_210 = vector.extract_strided_slice %add3A_205 {offsets = [16, 0], sizes = [16, 224], strides = [1, 1]} : vector<32x224xf32> to vector<16x224xf32>
    %slice3A_211 = vector.extract_strided_slice %sub3A_207 {offsets = [16, 0], sizes = [16, 224], strides = [1, 1]} : vector<32x224xf32> to vector<16x224xf32>
    %add3A_212 = arith.addf %slice3A_208, %slice3A_210 : vector<16x224xf32>
    %sub3A_213 = arith.subf %add3A_212, %slice3A_208 : vector<16x224xf32>
    %sub3A_214 = arith.subf %slice3A_208, %sub3A_213 : vector<16x224xf32>
    %sub3A_215 = arith.subf %add3A_212, %sub3A_213 : vector<16x224xf32>
    %sub3A_216 = arith.subf %slice3A_210, %sub3A_215 : vector<16x224xf32>
    %add3A_217 = arith.addf %sub3A_214, %sub3A_216 : vector<16x224xf32>
    %add3A_218 = arith.addf %slice3A_209, %slice3A_211 : vector<16x224xf32>
    %add3A_219 = arith.addf %add3A_217, %add3A_218 : vector<16x224xf32>
    %add3A_220 = arith.addf %add3A_212, %add3A_219 : vector<16x224xf32>
    %sub3A_221 = arith.subf %add3A_220, %add3A_212 : vector<16x224xf32>
    %sub3A_222 = arith.subf %add3A_219, %sub3A_221 : vector<16x224xf32>
    %slice3A_223 = vector.extract_strided_slice %add3A_220 {offsets = [0, 0], sizes = [8, 224], strides = [1, 1]} : vector<16x224xf32> to vector<8x224xf32>
    %slice3A_224 = vector.extract_strided_slice %sub3A_222 {offsets = [0, 0], sizes = [8, 224], strides = [1, 1]} : vector<16x224xf32> to vector<8x224xf32>
    %slice3A_225 = vector.extract_strided_slice %add3A_220 {offsets = [8, 0], sizes = [8, 224], strides = [1, 1]} : vector<16x224xf32> to vector<8x224xf32>
    %slice3A_226 = vector.extract_strided_slice %sub3A_222 {offsets = [8, 0], sizes = [8, 224], strides = [1, 1]} : vector<16x224xf32> to vector<8x224xf32>
    %add3A_227 = arith.addf %slice3A_223, %slice3A_225 : vector<8x224xf32>
    %sub3A_228 = arith.subf %add3A_227, %slice3A_223 : vector<8x224xf32>
    %sub3A_229 = arith.subf %slice3A_223, %sub3A_228 : vector<8x224xf32>
    %sub3A_230 = arith.subf %add3A_227, %sub3A_228 : vector<8x224xf32>
    %sub3A_231 = arith.subf %slice3A_225, %sub3A_230 : vector<8x224xf32>
    %add3A_232 = arith.addf %sub3A_229, %sub3A_231 : vector<8x224xf32>
    %add3A_233 = arith.addf %slice3A_224, %slice3A_226 : vector<8x224xf32>
    %add3A_234 = arith.addf %add3A_232, %add3A_233 : vector<8x224xf32>
    %add3A_235 = arith.addf %add3A_227, %add3A_234 : vector<8x224xf32>
    %sub3A_236 = arith.subf %add3A_235, %add3A_227 : vector<8x224xf32>
    %sub3A_237 = arith.subf %add3A_234, %sub3A_236 : vector<8x224xf32>
    %slice3A_238 = vector.extract_strided_slice %add3A_235 {offsets = [0, 0], sizes = [4, 224], strides = [1, 1]} : vector<8x224xf32> to vector<4x224xf32>
    %slice3A_239 = vector.extract_strided_slice %sub3A_237 {offsets = [0, 0], sizes = [4, 224], strides = [1, 1]} : vector<8x224xf32> to vector<4x224xf32>
    %slice3A_240 = vector.extract_strided_slice %add3A_235 {offsets = [4, 0], sizes = [4, 224], strides = [1, 1]} : vector<8x224xf32> to vector<4x224xf32>
    %slice3A_241 = vector.extract_strided_slice %sub3A_237 {offsets = [4, 0], sizes = [4, 224], strides = [1, 1]} : vector<8x224xf32> to vector<4x224xf32>
    %add3A_242 = arith.addf %slice3A_238, %slice3A_240 : vector<4x224xf32>
    %sub3A_243 = arith.subf %add3A_242, %slice3A_238 : vector<4x224xf32>
    %sub3A_244 = arith.subf %slice3A_238, %sub3A_243 : vector<4x224xf32>
    %sub3A_245 = arith.subf %add3A_242, %sub3A_243 : vector<4x224xf32>
    %sub3A_246 = arith.subf %slice3A_240, %sub3A_245 : vector<4x224xf32>
    %add3A_247 = arith.addf %sub3A_244, %sub3A_246 : vector<4x224xf32>
    %add3A_248 = arith.addf %slice3A_239, %slice3A_241 : vector<4x224xf32>
    %add3A_249 = arith.addf %add3A_247, %add3A_248 : vector<4x224xf32>
    %add3A_250 = arith.addf %add3A_242, %add3A_249 : vector<4x224xf32>
    %sub3A_251 = arith.subf %add3A_250, %add3A_242 : vector<4x224xf32>
    %sub3A_252 = arith.subf %add3A_249, %sub3A_251 : vector<4x224xf32>
    %slice3A_253 = vector.extract_strided_slice %add3A_250 {offsets = [0, 0], sizes = [2, 224], strides = [1, 1]} : vector<4x224xf32> to vector<2x224xf32>
    %slice3A_254 = vector.extract_strided_slice %sub3A_252 {offsets = [0, 0], sizes = [2, 224], strides = [1, 1]} : vector<4x224xf32> to vector<2x224xf32>
    %slice3A_255 = vector.extract_strided_slice %add3A_250 {offsets = [2, 0], sizes = [2, 224], strides = [1, 1]} : vector<4x224xf32> to vector<2x224xf32>
    %slice3A_256 = vector.extract_strided_slice %sub3A_252 {offsets = [2, 0], sizes = [2, 224], strides = [1, 1]} : vector<4x224xf32> to vector<2x224xf32>
    %add3A_257 = arith.addf %slice3A_253, %slice3A_255 : vector<2x224xf32>
    %sub3A_258 = arith.subf %add3A_257, %slice3A_253 : vector<2x224xf32>
    %sub3A_259 = arith.subf %slice3A_253, %sub3A_258 : vector<2x224xf32>
    %sub3A_260 = arith.subf %add3A_257, %sub3A_258 : vector<2x224xf32>
    %sub3A_261 = arith.subf %slice3A_255, %sub3A_260 : vector<2x224xf32>
    %add3A_262 = arith.addf %sub3A_259, %sub3A_261 : vector<2x224xf32>
    %add3A_263 = arith.addf %slice3A_254, %slice3A_256 : vector<2x224xf32>
    %add3A_264 = arith.addf %add3A_262, %add3A_263 : vector<2x224xf32>
    %add3A_265 = arith.addf %add3A_257, %add3A_264 : vector<2x224xf32>
    %sub3A_266 = arith.subf %add3A_265, %add3A_257 : vector<2x224xf32>
    %sub3A_267 = arith.subf %add3A_264, %sub3A_266 : vector<2x224xf32>
    %slice3A_268 = vector.extract_strided_slice %add3A_265 {offsets = [0, 0], sizes = [1, 224], strides = [1, 1]} : vector<2x224xf32> to vector<1x224xf32>
    %slice3A_269 = vector.extract_strided_slice %sub3A_267 {offsets = [0, 0], sizes = [1, 224], strides = [1, 1]} : vector<2x224xf32> to vector<1x224xf32>
    %slice3A_270 = vector.extract_strided_slice %add3A_265 {offsets = [1, 0], sizes = [1, 224], strides = [1, 1]} : vector<2x224xf32> to vector<1x224xf32>
    %slice3A_271 = vector.extract_strided_slice %sub3A_267 {offsets = [1, 0], sizes = [1, 224], strides = [1, 1]} : vector<2x224xf32> to vector<1x224xf32>
    %add3A_272 = arith.addf %slice3A_268, %slice3A_270 : vector<1x224xf32>
    %sub3A_273 = arith.subf %add3A_272, %slice3A_268 : vector<1x224xf32>
    %sub3A_274 = arith.subf %slice3A_268, %sub3A_273 : vector<1x224xf32>
    %sub3A_275 = arith.subf %add3A_272, %sub3A_273 : vector<1x224xf32>
    %sub3A_276 = arith.subf %slice3A_270, %sub3A_275 : vector<1x224xf32>
    %add3A_277 = arith.addf %sub3A_274, %sub3A_276 : vector<1x224xf32>
    %add3A_278 = arith.addf %slice3A_269, %slice3A_271 : vector<1x224xf32>
    %add3A_279 = arith.addf %add3A_277, %add3A_278 : vector<1x224xf32>
    %add3A_280 = arith.addf %add3A_272, %add3A_279 : vector<1x224xf32>
    %sub3A_281 = arith.subf %add3A_280, %add3A_272 : vector<1x224xf32>
    %sub3A_282 = arith.subf %add3A_279, %sub3A_281 : vector<1x224xf32>
    %slice3A_283 = vector.extract_strided_slice %transpose3A_146 {offsets = [0, 0], sizes = [256, 224], strides = [1, 1]} : vector<512x224xf32> to vector<256x224xf32>
    %slice3A_284 = vector.extract_strided_slice %transpose3A_147 {offsets = [0, 0], sizes = [256, 224], strides = [1, 1]} : vector<512x224xf32> to vector<256x224xf32>
    %slice3A_285 = vector.extract_strided_slice %transpose3A_146 {offsets = [256, 0], sizes = [256, 224], strides = [1, 1]} : vector<512x224xf32> to vector<256x224xf32>
    %slice3A_286 = vector.extract_strided_slice %transpose3A_147 {offsets = [256, 0], sizes = [256, 224], strides = [1, 1]} : vector<512x224xf32> to vector<256x224xf32>
    %add3A_287 = arith.addf %slice3A_283, %slice3A_285 : vector<256x224xf32>
    %sub3A_288 = arith.subf %add3A_287, %slice3A_283 : vector<256x224xf32>
    %sub3A_289 = arith.subf %slice3A_283, %sub3A_288 : vector<256x224xf32>
    %sub3A_290 = arith.subf %add3A_287, %sub3A_288 : vector<256x224xf32>
    %sub3A_291 = arith.subf %slice3A_285, %sub3A_290 : vector<256x224xf32>
    %add3A_292 = arith.addf %sub3A_289, %sub3A_291 : vector<256x224xf32>
    %add3A_293 = arith.addf %slice3A_284, %slice3A_286 : vector<256x224xf32>
    %add3A_294 = arith.addf %add3A_292, %add3A_293 : vector<256x224xf32>
    %add3A_295 = arith.addf %add3A_287, %add3A_294 : vector<256x224xf32>
    %sub3A_296 = arith.subf %add3A_295, %add3A_287 : vector<256x224xf32>
    %sub3A_297 = arith.subf %add3A_294, %sub3A_296 : vector<256x224xf32>
    %slice3A_298 = vector.extract_strided_slice %add3A_295 {offsets = [0, 0], sizes = [128, 224], strides = [1, 1]} : vector<256x224xf32> to vector<128x224xf32>
    %slice3A_299 = vector.extract_strided_slice %sub3A_297 {offsets = [0, 0], sizes = [128, 224], strides = [1, 1]} : vector<256x224xf32> to vector<128x224xf32>
    %slice3A_300 = vector.extract_strided_slice %add3A_295 {offsets = [128, 0], sizes = [128, 224], strides = [1, 1]} : vector<256x224xf32> to vector<128x224xf32>
    %slice3A_301 = vector.extract_strided_slice %sub3A_297 {offsets = [128, 0], sizes = [128, 224], strides = [1, 1]} : vector<256x224xf32> to vector<128x224xf32>
    %add3A_302 = arith.addf %slice3A_298, %slice3A_300 : vector<128x224xf32>
    %sub3A_303 = arith.subf %add3A_302, %slice3A_298 : vector<128x224xf32>
    %sub3A_304 = arith.subf %slice3A_298, %sub3A_303 : vector<128x224xf32>
    %sub3A_305 = arith.subf %add3A_302, %sub3A_303 : vector<128x224xf32>
    %sub3A_306 = arith.subf %slice3A_300, %sub3A_305 : vector<128x224xf32>
    %add3A_307 = arith.addf %sub3A_304, %sub3A_306 : vector<128x224xf32>
    %add3A_308 = arith.addf %slice3A_299, %slice3A_301 : vector<128x224xf32>
    %add3A_309 = arith.addf %add3A_307, %add3A_308 : vector<128x224xf32>
    %add3A_310 = arith.addf %add3A_302, %add3A_309 : vector<128x224xf32>
    %sub3A_311 = arith.subf %add3A_310, %add3A_302 : vector<128x224xf32>
    %sub3A_312 = arith.subf %add3A_309, %sub3A_311 : vector<128x224xf32>
    %slice3A_313 = vector.extract_strided_slice %add3A_310 {offsets = [0, 0], sizes = [64, 224], strides = [1, 1]} : vector<128x224xf32> to vector<64x224xf32>
    %slice3A_314 = vector.extract_strided_slice %sub3A_312 {offsets = [0, 0], sizes = [64, 224], strides = [1, 1]} : vector<128x224xf32> to vector<64x224xf32>
    %slice3A_315 = vector.extract_strided_slice %add3A_310 {offsets = [64, 0], sizes = [64, 224], strides = [1, 1]} : vector<128x224xf32> to vector<64x224xf32>
    %slice3A_316 = vector.extract_strided_slice %sub3A_312 {offsets = [64, 0], sizes = [64, 224], strides = [1, 1]} : vector<128x224xf32> to vector<64x224xf32>
    %add3A_317 = arith.addf %slice3A_313, %slice3A_315 : vector<64x224xf32>
    %sub3A_318 = arith.subf %add3A_317, %slice3A_313 : vector<64x224xf32>
    %sub3A_319 = arith.subf %slice3A_313, %sub3A_318 : vector<64x224xf32>
    %sub3A_320 = arith.subf %add3A_317, %sub3A_318 : vector<64x224xf32>
    %sub3A_321 = arith.subf %slice3A_315, %sub3A_320 : vector<64x224xf32>
    %add3A_322 = arith.addf %sub3A_319, %sub3A_321 : vector<64x224xf32>
    %add3A_323 = arith.addf %slice3A_314, %slice3A_316 : vector<64x224xf32>
    %add3A_324 = arith.addf %add3A_322, %add3A_323 : vector<64x224xf32>
    %add3A_325 = arith.addf %add3A_317, %add3A_324 : vector<64x224xf32>
    %sub3A_326 = arith.subf %add3A_325, %add3A_317 : vector<64x224xf32>
    %sub3A_327 = arith.subf %add3A_324, %sub3A_326 : vector<64x224xf32>
    %slice3A_328 = vector.extract_strided_slice %add3A_325 {offsets = [0, 0], sizes = [32, 224], strides = [1, 1]} : vector<64x224xf32> to vector<32x224xf32>
    %slice3A_329 = vector.extract_strided_slice %sub3A_327 {offsets = [0, 0], sizes = [32, 224], strides = [1, 1]} : vector<64x224xf32> to vector<32x224xf32>
    %slice3A_330 = vector.extract_strided_slice %add3A_325 {offsets = [32, 0], sizes = [32, 224], strides = [1, 1]} : vector<64x224xf32> to vector<32x224xf32>
    %slice3A_331 = vector.extract_strided_slice %sub3A_327 {offsets = [32, 0], sizes = [32, 224], strides = [1, 1]} : vector<64x224xf32> to vector<32x224xf32>
    %add3A_332 = arith.addf %slice3A_328, %slice3A_330 : vector<32x224xf32>
    %sub3A_333 = arith.subf %add3A_332, %slice3A_328 : vector<32x224xf32>
    %sub3A_334 = arith.subf %slice3A_328, %sub3A_333 : vector<32x224xf32>
    %sub3A_335 = arith.subf %add3A_332, %sub3A_333 : vector<32x224xf32>
    %sub3A_336 = arith.subf %slice3A_330, %sub3A_335 : vector<32x224xf32>
    %add3A_337 = arith.addf %sub3A_334, %sub3A_336 : vector<32x224xf32>
    %add3A_338 = arith.addf %slice3A_329, %slice3A_331 : vector<32x224xf32>
    %add3A_339 = arith.addf %add3A_337, %add3A_338 : vector<32x224xf32>
    %add3A_340 = arith.addf %add3A_332, %add3A_339 : vector<32x224xf32>
    %sub3A_341 = arith.subf %add3A_340, %add3A_332 : vector<32x224xf32>
    %sub3A_342 = arith.subf %add3A_339, %sub3A_341 : vector<32x224xf32>
    %slice3A_343 = vector.extract_strided_slice %add3A_340 {offsets = [0, 0], sizes = [16, 224], strides = [1, 1]} : vector<32x224xf32> to vector<16x224xf32>
    %slice3A_344 = vector.extract_strided_slice %sub3A_342 {offsets = [0, 0], sizes = [16, 224], strides = [1, 1]} : vector<32x224xf32> to vector<16x224xf32>
    %slice3A_345 = vector.extract_strided_slice %add3A_340 {offsets = [16, 0], sizes = [16, 224], strides = [1, 1]} : vector<32x224xf32> to vector<16x224xf32>
    %slice3A_346 = vector.extract_strided_slice %sub3A_342 {offsets = [16, 0], sizes = [16, 224], strides = [1, 1]} : vector<32x224xf32> to vector<16x224xf32>
    %add3A_347 = arith.addf %slice3A_343, %slice3A_345 : vector<16x224xf32>
    %sub3A_348 = arith.subf %add3A_347, %slice3A_343 : vector<16x224xf32>
    %sub3A_349 = arith.subf %slice3A_343, %sub3A_348 : vector<16x224xf32>
    %sub3A_350 = arith.subf %add3A_347, %sub3A_348 : vector<16x224xf32>
    %sub3A_351 = arith.subf %slice3A_345, %sub3A_350 : vector<16x224xf32>
    %add3A_352 = arith.addf %sub3A_349, %sub3A_351 : vector<16x224xf32>
    %add3A_353 = arith.addf %slice3A_344, %slice3A_346 : vector<16x224xf32>
    %add3A_354 = arith.addf %add3A_352, %add3A_353 : vector<16x224xf32>
    %add3A_355 = arith.addf %add3A_347, %add3A_354 : vector<16x224xf32>
    %sub3A_356 = arith.subf %add3A_355, %add3A_347 : vector<16x224xf32>
    %sub3A_357 = arith.subf %add3A_354, %sub3A_356 : vector<16x224xf32>
    %slice3A_358 = vector.extract_strided_slice %add3A_355 {offsets = [0, 0], sizes = [8, 224], strides = [1, 1]} : vector<16x224xf32> to vector<8x224xf32>
    %slice3A_359 = vector.extract_strided_slice %sub3A_357 {offsets = [0, 0], sizes = [8, 224], strides = [1, 1]} : vector<16x224xf32> to vector<8x224xf32>
    %slice3A_360 = vector.extract_strided_slice %add3A_355 {offsets = [8, 0], sizes = [8, 224], strides = [1, 1]} : vector<16x224xf32> to vector<8x224xf32>
    %slice3A_361 = vector.extract_strided_slice %sub3A_357 {offsets = [8, 0], sizes = [8, 224], strides = [1, 1]} : vector<16x224xf32> to vector<8x224xf32>
    %add3A_362 = arith.addf %slice3A_358, %slice3A_360 : vector<8x224xf32>
    %sub3A_363 = arith.subf %add3A_362, %slice3A_358 : vector<8x224xf32>
    %sub3A_364 = arith.subf %slice3A_358, %sub3A_363 : vector<8x224xf32>
    %sub3A_365 = arith.subf %add3A_362, %sub3A_363 : vector<8x224xf32>
    %sub3A_366 = arith.subf %slice3A_360, %sub3A_365 : vector<8x224xf32>
    %add3A_367 = arith.addf %sub3A_364, %sub3A_366 : vector<8x224xf32>
    %add3A_368 = arith.addf %slice3A_359, %slice3A_361 : vector<8x224xf32>
    %add3A_369 = arith.addf %add3A_367, %add3A_368 : vector<8x224xf32>
    %add3A_370 = arith.addf %add3A_362, %add3A_369 : vector<8x224xf32>
    %sub3A_371 = arith.subf %add3A_370, %add3A_362 : vector<8x224xf32>
    %sub3A_372 = arith.subf %add3A_369, %sub3A_371 : vector<8x224xf32>
    %slice3A_373 = vector.extract_strided_slice %add3A_370 {offsets = [0, 0], sizes = [4, 224], strides = [1, 1]} : vector<8x224xf32> to vector<4x224xf32>
    %slice3A_374 = vector.extract_strided_slice %sub3A_372 {offsets = [0, 0], sizes = [4, 224], strides = [1, 1]} : vector<8x224xf32> to vector<4x224xf32>
    %slice3A_375 = vector.extract_strided_slice %add3A_370 {offsets = [4, 0], sizes = [4, 224], strides = [1, 1]} : vector<8x224xf32> to vector<4x224xf32>
    %slice3A_376 = vector.extract_strided_slice %sub3A_372 {offsets = [4, 0], sizes = [4, 224], strides = [1, 1]} : vector<8x224xf32> to vector<4x224xf32>
    %add3A_377 = arith.addf %slice3A_373, %slice3A_375 : vector<4x224xf32>
    %sub3A_378 = arith.subf %add3A_377, %slice3A_373 : vector<4x224xf32>
    %sub3A_379 = arith.subf %slice3A_373, %sub3A_378 : vector<4x224xf32>
    %sub3A_380 = arith.subf %add3A_377, %sub3A_378 : vector<4x224xf32>
    %sub3A_381 = arith.subf %slice3A_375, %sub3A_380 : vector<4x224xf32>
    %add3A_382 = arith.addf %sub3A_379, %sub3A_381 : vector<4x224xf32>
    %add3A_383 = arith.addf %slice3A_374, %slice3A_376 : vector<4x224xf32>
    %add3A_384 = arith.addf %add3A_382, %add3A_383 : vector<4x224xf32>
    %add3A_385 = arith.addf %add3A_377, %add3A_384 : vector<4x224xf32>
    %sub3A_386 = arith.subf %add3A_385, %add3A_377 : vector<4x224xf32>
    %sub3A_387 = arith.subf %add3A_384, %sub3A_386 : vector<4x224xf32>
    %slice3A_388 = vector.extract_strided_slice %add3A_385 {offsets = [0, 0], sizes = [2, 224], strides = [1, 1]} : vector<4x224xf32> to vector<2x224xf32>
    %slice3A_389 = vector.extract_strided_slice %sub3A_387 {offsets = [0, 0], sizes = [2, 224], strides = [1, 1]} : vector<4x224xf32> to vector<2x224xf32>
    %slice3A_390 = vector.extract_strided_slice %add3A_385 {offsets = [2, 0], sizes = [2, 224], strides = [1, 1]} : vector<4x224xf32> to vector<2x224xf32>
    %slice3A_391 = vector.extract_strided_slice %sub3A_387 {offsets = [2, 0], sizes = [2, 224], strides = [1, 1]} : vector<4x224xf32> to vector<2x224xf32>
    %add3A_392 = arith.addf %slice3A_388, %slice3A_390 : vector<2x224xf32>
    %sub3A_393 = arith.subf %add3A_392, %slice3A_388 : vector<2x224xf32>
    %sub3A_394 = arith.subf %slice3A_388, %sub3A_393 : vector<2x224xf32>
    %sub3A_395 = arith.subf %add3A_392, %sub3A_393 : vector<2x224xf32>
    %sub3A_396 = arith.subf %slice3A_390, %sub3A_395 : vector<2x224xf32>
    %add3A_397 = arith.addf %sub3A_394, %sub3A_396 : vector<2x224xf32>
    %add3A_398 = arith.addf %slice3A_389, %slice3A_391 : vector<2x224xf32>
    %add3A_399 = arith.addf %add3A_397, %add3A_398 : vector<2x224xf32>
    %add3A_400 = arith.addf %add3A_392, %add3A_399 : vector<2x224xf32>
    %sub3A_401 = arith.subf %add3A_400, %add3A_392 : vector<2x224xf32>
    %sub3A_402 = arith.subf %add3A_399, %sub3A_401 : vector<2x224xf32>
    %slice3A_403 = vector.extract_strided_slice %add3A_400 {offsets = [0, 0], sizes = [1, 224], strides = [1, 1]} : vector<2x224xf32> to vector<1x224xf32>
    %slice3A_404 = vector.extract_strided_slice %sub3A_402 {offsets = [0, 0], sizes = [1, 224], strides = [1, 1]} : vector<2x224xf32> to vector<1x224xf32>
    %slice3A_405 = vector.extract_strided_slice %add3A_400 {offsets = [1, 0], sizes = [1, 224], strides = [1, 1]} : vector<2x224xf32> to vector<1x224xf32>
    %slice3A_406 = vector.extract_strided_slice %sub3A_402 {offsets = [1, 0], sizes = [1, 224], strides = [1, 1]} : vector<2x224xf32> to vector<1x224xf32>
    %add3A_407 = arith.addf %slice3A_403, %slice3A_405 : vector<1x224xf32>
    %sub3A_408 = arith.subf %add3A_407, %slice3A_403 : vector<1x224xf32>
    %sub3A_409 = arith.subf %slice3A_403, %sub3A_408 : vector<1x224xf32>
    %sub3A_410 = arith.subf %add3A_407, %sub3A_408 : vector<1x224xf32>
    %sub3A_411 = arith.subf %slice3A_405, %sub3A_410 : vector<1x224xf32>
    %add3A_412 = arith.addf %sub3A_409, %sub3A_411 : vector<1x224xf32>
    %add3A_413 = arith.addf %slice3A_404, %slice3A_406 : vector<1x224xf32>
    %add3A_414 = arith.addf %add3A_412, %add3A_413 : vector<1x224xf32>
    %add3A_415 = arith.addf %add3A_407, %add3A_414 : vector<1x224xf32>
    %sub3A_416 = arith.subf %add3A_415, %add3A_407 : vector<1x224xf32>
    %sub3A_417 = arith.subf %add3A_414, %sub3A_416 : vector<1x224xf32>
    %mul3A = arith.mulf %add3A_280, %add3A_280 : vector<1x224xf32>
    %mul3A_418 = arith.constant 3.81469727E-6 : f32
    %mul3A_419 = vector.broadcast %mul3A_418 : f32 to vector<1x224xf32>
    %mul3A_420 = arith.mulf %mul3A, %mul3A_419 : vector<1x224xf32>
    %mul3A_421 = arith.constant 2.000000e+00 : f32
    %mul3A_422 = vector.broadcast %mul3A_421 : f32 to vector<1x224xf32>
    %mul3A_423 = arith.mulf %mul3A_422, %add3A_280 : vector<1x224xf32>
    %mul3A_424 = arith.mulf %mul3A_423, %sub3A_282 : vector<1x224xf32>
    %mul3A_425 = arith.constant 3.81469727E-6 : f32
    %mul3A_426 = vector.broadcast %mul3A_425 : f32 to vector<1x224xf32>
    %mul3A_427 = arith.mulf %mul3A_424, %mul3A_426 : vector<1x224xf32>
    %neg3A = arith.constant 0.000000e+00 : f32
    %neg3A_428 = vector.broadcast %neg3A : f32 to vector<1x224xf32>
    %neg3A_429 = arith.subf %neg3A_428, %mul3A_420 : vector<1x224xf32>
    %neg3A_430 = arith.constant 0.000000e+00 : f32
    %neg3A_431 = vector.broadcast %neg3A_430 : f32 to vector<1x224xf32>
    %neg3A_432 = arith.subf %neg3A_431, %mul3A_427 : vector<1x224xf32>
    %add3A_433 = arith.addf %add3A_415, %neg3A_429 : vector<1x224xf32>
    %sub3A_434 = arith.subf %add3A_433, %add3A_415 : vector<1x224xf32>
    %sub3A_435 = arith.subf %add3A_415, %sub3A_434 : vector<1x224xf32>
    %sub3A_436 = arith.subf %add3A_433, %sub3A_434 : vector<1x224xf32>
    %sub3A_437 = arith.subf %neg3A_429, %sub3A_436 : vector<1x224xf32>
    %add3A_438 = arith.addf %sub3A_435, %sub3A_437 : vector<1x224xf32>
    %add3A_439 = arith.addf %sub3A_417, %neg3A_432 : vector<1x224xf32>
    %add3A_440 = arith.addf %add3A_438, %add3A_439 : vector<1x224xf32>
    %add3A_441 = arith.addf %add3A_433, %add3A_440 : vector<1x224xf32>
    %sub3A_442 = arith.subf %add3A_441, %add3A_433 : vector<1x224xf32>
    %sub3A_443 = arith.subf %add3A_440, %sub3A_442 : vector<1x224xf32>
    %iota3A = tpu.iota {dimensions = array<i32: 0>} : vector<224x224xi32>
    %iota3A_444 = tpu.iota {dimensions = array<i32: 1>} : vector<224x224xi32>
    %eq3A = arith.cmpi eq, %iota3A, %iota3A_444 : vector<224x224xi32>
    %jit3A = arith.constant 0.000000e+00 : f32
    %broadcast_in_dim3A = vector.shape_cast %add3A_441 : vector<1x224xf32> to vector<1x224xf32>
    %broadcast_in_dim3A_445 = vector.broadcast %broadcast_in_dim3A : vector<1x224xf32> to vector<224x224xf32>
    %broadcast_in_dim3A_446 = vector.broadcast %jit3A : f32 to vector<224x224xf32>
    %select_n3A = arith.select %eq3A, %broadcast_in_dim3A_445, %broadcast_in_dim3A_446 : vector<224x224xi1>, vector<224x224xf32>
    %reduce_sum3A = arith.constant dense<0.000000e+00> : vector<224xf32>
    %reduce_sum3A_447 = vector.multi_reduction <add>, %select_n3A, %reduce_sum3A [1] : vector<224x224xf32> to vector<224xf32>
    %broadcast_in_dim3A_448 = vector.shape_cast %reduce_sum3A_447 : vector<224xf32> to vector<224x1xf32>
    %iota3A_449 = tpu.iota {dimensions = array<i32: 0>} : vector<224x224xi32>
    %iota3A_450 = tpu.iota {dimensions = array<i32: 1>} : vector<224x224xi32>
    %eq3A_451 = arith.cmpi eq, %iota3A_449, %iota3A_450 : vector<224x224xi32>
    %jit3A_452 = arith.constant 0.000000e+00 : f32
    %broadcast_in_dim3A_453 = vector.shape_cast %sub3A_443 : vector<1x224xf32> to vector<1x224xf32>
    %broadcast_in_dim3A_454 = vector.broadcast %broadcast_in_dim3A_453 : vector<1x224xf32> to vector<224x224xf32>
    %broadcast_in_dim3A_455 = vector.broadcast %jit3A_452 : f32 to vector<224x224xf32>
    %select_n3A_456 = arith.select %eq3A_451, %broadcast_in_dim3A_454, %broadcast_in_dim3A_455 : vector<224x224xi1>, vector<224x224xf32>
    %reduce_sum3A_457 = arith.constant dense<0.000000e+00> : vector<224xf32>
    %reduce_sum3A_458 = vector.multi_reduction <add>, %select_n3A_456, %reduce_sum3A_457 [1] : vector<224x224xf32> to vector<224xf32>
    %broadcast_in_dim3A_459 = vector.shape_cast %reduce_sum3A_458 : vector<224xf32> to vector<224x1xf32>
    %iota3A_460 = tpu.iota {dimensions = array<i32: 0>} : vector<224x224xi32>
    %iota3A_461 = tpu.iota {dimensions = array<i32: 1>} : vector<224x224xi32>
    %gt3A = vector.broadcast %add3A_441 : vector<1x224xf32> to vector<224x224xf32>
    %gt3A_462 = vector.broadcast %broadcast_in_dim3A_448 : vector<224x1xf32> to vector<224x224xf32>
    %gt3A_463 = arith.cmpf ogt, %gt3A, %gt3A_462 : vector<224x224xf32>
    %eq3A_464 = vector.broadcast %add3A_441 : vector<1x224xf32> to vector<224x224xf32>
    %eq3A_465 = vector.broadcast %broadcast_in_dim3A_448 : vector<224x1xf32> to vector<224x224xf32>
    %eq3A_466 = arith.cmpf oeq, %eq3A_464, %eq3A_465 : vector<224x224xf32>
    %gt3A_467 = vector.broadcast %sub3A_443 : vector<1x224xf32> to vector<224x224xf32>
    %gt3A_468 = vector.broadcast %broadcast_in_dim3A_459 : vector<224x1xf32> to vector<224x224xf32>
    %gt3A_469 = arith.cmpf ogt, %gt3A_467, %gt3A_468 : vector<224x224xf32>
    %and3A = arith.andi %eq3A_466, %gt3A_469 : vector<224x224xi1>
    %or3A = arith.ori %gt3A_463, %and3A : vector<224x224xi1>
    %eq3A_470 = vector.broadcast %add3A_441 : vector<1x224xf32> to vector<224x224xf32>
    %eq3A_471 = vector.broadcast %broadcast_in_dim3A_448 : vector<224x1xf32> to vector<224x224xf32>
    %eq3A_472 = arith.cmpf oeq, %eq3A_470, %eq3A_471 : vector<224x224xf32>
    %eq3A_473 = vector.broadcast %sub3A_443 : vector<1x224xf32> to vector<224x224xf32>
    %eq3A_474 = vector.broadcast %broadcast_in_dim3A_459 : vector<224x1xf32> to vector<224x224xf32>
    %eq3A_475 = arith.cmpf oeq, %eq3A_473, %eq3A_474 : vector<224x224xf32>
    %and3A_476 = arith.andi %eq3A_472, %eq3A_475 : vector<224x224xi1>
    %lt3A = arith.cmpi slt, %iota3A_461, %iota3A_460 : vector<224x224xi32>
    %and3A_477 = arith.andi %and3A_476, %lt3A : vector<224x224xi1>
    %or3A_478 = arith.ori %or3A, %and3A_477 : vector<224x224xi1>
    %convert_element_type3A = arith.extui %or3A_478 : vector<224x224xi1> to vector<224x224xi32>
    %reduce_sum3A_479 = arith.constant dense<0> : vector<224xi32>
    %reduce_sum3A_480 = vector.multi_reduction <add>, %convert_element_type3A, %reduce_sum3A_479 [1] : vector<224x224xi32> to vector<224xi32>
    %broadcast_in_dim3A_481 = vector.shape_cast %reduce_sum3A_480 : vector<224xi32> to vector<224x1xi32>
    %reshape3A = vector.shape_cast %broadcast_in_dim3A_481 : vector<224x1xi32> to vector<224x1x1xi32>
    %iota3A_482 = tpu.iota {dimensions = array<i32: 1>} : vector<224x8x128xi32>
    %mul3A_483 = arith.constant 128 : i32
    %mul3A_484 = vector.broadcast %mul3A_483 : i32 to vector<224x8x128xi32>
    %mul3A_485 = arith.muli %iota3A_482, %mul3A_484 : vector<224x8x128xi32>
    %iota3A_486 = tpu.iota {dimensions = array<i32: 2>} : vector<224x8x128xi32>
    %add3A_487 = arith.addi %mul3A_485, %iota3A_486 : vector<224x8x128xi32>
    %iota3A_488 = tpu.iota {dimensions = array<i32: 0>} : vector<224x8x128xi32>
    %eq3A_489 = vector.broadcast %reshape3A : vector<224x1x1xi32> to vector<224x8x128xi32>
    %eq3A_490 = arith.cmpi eq, %eq3A_489, %add3A_487 : vector<224x8x128xi32>
    %jit3A_491 = arith.constant 0 : i32
    %broadcast_in_dim3A_492 = vector.broadcast %jit3A_491 : i32 to vector<224x8x128xi32>
    %select_n3A_493 = arith.select %eq3A_490, %iota3A_488, %broadcast_in_dim3A_492 : vector<224x8x128xi1>, vector<224x8x128xi32>
    %reduce_sum3A_494 = arith.constant dense<0> : vector<8x128xi32>
    %reduce_sum3A_495 = vector.multi_reduction <add>, %select_n3A_493, %reduce_sum3A_494 [0] : vector<224x8x128xi32> to vector<8x128xi32>
    %swap3A = arith.constant 0 : index
    %swap3A_496 = arith.constant 0 : index
    %swap3A_497 = vector.load %arg1[%swap3A, %swap3A_496] : memref<8x128xi32, #tpu.memory_space<vmem>>, vector<8x128xi32>
    tpu.vector_store %arg1[%swap3A, %swap3A_496], %reduce_sum3A_495 {strides = array<i32>} : memref<8x128xi32, #tpu.memory_space<vmem>>, vector<8x128xi32>,
    %slice3A_498 = vector.extract_strided_slice %get3A_2 {offsets = [0, 16, 0], sizes = [224, 8, 512], strides = [1, 1, 1]} : vector<224x32x512xf32> to vector<224x8x512xf32>
    %reduce_min3A = vector.shape_cast %slice3A_498 : vector<224x8x512xf32> to vector<1x224x8x512xf32>
    %reduce_min3A_499 = arith.constant dense<0x7F800000> : vector<1xf32>
    %reduce_min3A_500 = vector.multi_reduction <minimumf>, %reduce_min3A, %reduce_min3A_499 [1, 2, 3] : vector<1x224x8x512xf32> to vector<1xf32>
    %reduce_min3A_501 = vector.shape_cast %reduce_min3A_500 : vector<1xf32> to vector<1x1x1x1xf32>
    %reduce_min3A_502 = vector.extract %reduce_min3A_501[0, 0, 0, 0] : f32 from vector<1x1x1x1xf32>
    %slice3A_503 = vector.extract_strided_slice %get3A_2 {offsets = [0, 24, 0], sizes = [224, 8, 512], strides = [1, 1, 1]} : vector<224x32x512xf32> to vector<224x8x512xf32>
    %reduce_max3A = vector.shape_cast %slice3A_503 : vector<224x8x512xf32> to vector<1x224x8x512xf32>
    %reduce_max3A_504 = arith.constant dense<0xFF800000> : vector<1xf32>
    %reduce_max3A_505 = vector.multi_reduction <maximumf>, %reduce_max3A, %reduce_max3A_504 [1, 2, 3] : vector<1x224x8x512xf32> to vector<1xf32>
    %reduce_max3A_506 = vector.shape_cast %reduce_max3A_505 : vector<1xf32> to vector<1x1x1x1xf32>
    %reduce_max3A_507 = vector.extract %reduce_max3A_506[0, 0, 0, 0] : f32 from vector<1x1x1x1xf32>
    %sub3A_508 = arith.subf %reduce_max3A_507, %reduce_min3A_502 : f32
    %div3A = arith.constant 1.000000e+00 : f32
    %div3A_509 = arith.divf %div3A, %sub3A_508 : f32
    %iota3A_510 = tpu.iota {dimensions = array<i32: 0>} : vector<8x128xi32>
    %eq3A_511 = arith.constant 0 : i32
    %eq3A_512 = vector.broadcast %eq3A_511 : i32 to vector<8x128xi32>
    %eq3A_513 = arith.cmpi eq, %iota3A_510, %eq3A_512 : vector<8x128xi32>
    %eq3A_514 = arith.constant 1 : i32
    %eq3A_515 = vector.broadcast %eq3A_514 : i32 to vector<8x128xi32>
    %eq3A_516 = arith.cmpi eq, %iota3A_510, %eq3A_515 : vector<8x128xi32>
    %jit3A_517 = arith.constant 0.000000e+00 : f32
    %broadcast_in_dim3A_518 = vector.broadcast %div3A_509 : f32 to vector<8x128xf32>
    %broadcast_in_dim3A_519 = vector.broadcast %jit3A_517 : f32 to vector<8x128xf32>
    %select_n3A_520 = arith.select %eq3A_516, %broadcast_in_dim3A_518, %broadcast_in_dim3A_519 : vector<8x128xi1>, vector<8x128xf32>
    %broadcast_in_dim3A_521 = vector.broadcast %reduce_min3A_502 : f32 to vector<8x128xf32>
    %select_n3A_522 = arith.select %eq3A_513, %broadcast_in_dim3A_521, %select_n3A_520 : vector<8x128xi1>, vector<8x128xf32>
    %swap3A_523 = arith.constant 0 : index
    %swap3A_524 = arith.constant 0 : index
    %swap3A_525 = vector.load %arg2[%swap3A_523, %swap3A_524] : memref<8x128xf32, #tpu.memory_space<vmem>>, vector<8x128xf32>
    tpu.vector_store %arg2[%swap3A_523, %swap3A_524], %select_n3A_522 {strides = array<i32>} : memref<8x128xf32, #tpu.memory_space<vmem>>, vector<8x128xf32>,
    return
  }
}

</mosaic_0001>

<sc_bundles>
// kernel: sparse-core-data-format-call.cloned.1.call-start
scs
called_computation_lowered:
.L_overlay_start_0:
0x0: {  	s2 =	sld [smem:$0x3FD9]  }
0x1: {  	s3 =	sld [smem:$0x3FFE];
	_ =	sdelay $0x1  }
0x2: {  	s1 =	srdreg.scid  }
0x3: {  	s0 =	sand.u32 $0x1, s1  }
0x4: {  	s18 =	sshll.u32 s0, $0xA;
	s2 =	sadd.s32 s3, s2  }
0x5: {  	s2 =	sadd.s32 s2, s18  }
0x6: {  	[smem:$0x3FC7] =	sst s2  }
0x7: {  	_ = 	snop  }
0x8: {  	s2 =	sld [smem:$0x3FD0];
	(tm) =	ssettm $0x1  }
0x9: {  	s19 =	sld [smem:$0x3FFB];
	_ =	sdelay $0x3  }
0xa: {  	_ =	strace s19  }
0xb: {  	s3 =	sld [smem:$0x3FFC];
	_ =	sdelay $0x3  }
0xc: {  	_ =	strace s3  }
0xd: {  	s3 =	sld [smem:$0x3FFD];
	_ =	sdelay $0x3  }
0xe: {  	_ =	strace s3  }
0xf: {  	_ =	strace $0x8FFFFFFF  }
0x10: {  	s20 =	sld [smem:$0x3FDB];
	_ =	sdelay $0x1  }
0x11: {  	s4 =	simm.s32 $_scs_section_size  }
0x12: {  	s5 =	simm.s32 $_size__tile_overlayer_lowered;
	s6 =	simm.s32 $_tile_overlayer_lowered  }
0x13: {  	s23 =	simm.s32 $0x1BFF;
	s22 =	sshll.u32 s6, $0x1;
	s3 =	sadd.s32 s4, s20  }
0x14: {  	s7 =	simm.s32 $0x0;
	s21 =	sshll.u32 s5, $0x1;
	s5 =	sadd.s32 s22, s3  }
0x15: {  	[timem:s7], [sflag:s23] =	dma.local [hbm:s5], s21  }
0x16: {  	_ =	swait.ge [sflag:s23], s21  }
0x17: {  	s4 =	ssub.s32 $0x0, s21;
	[sflag:s23] =	ssyncset.done $0x0  }
0x18: {  	[sflag:s23] =	ssyncadd.s32 s4;
	_ =	sdelay $0x1  }
0x19: {  	s24 =	simm.s32 $0x1B8B  }
0x1a: {  	_ =	swait.ge [sflag:s24], $0x1  }
0x1b: {  	[sflag:s24] =	ssyncset.done $0x0  }
0x1c: {  	s26 =	simm.s32 $0x1B8E;
	s25 =	sld [smem:$0x3FFE];
	[sflag:s24] =	ssyncadd.s32 $0xFFFFFFFF  }
0x1d: {  	s27 =	simm.s32 $execute0_lowered;
	[smem:$0x3FD2] =	sst s26  }
0x1e: {  	s5 =	sshll.u32 s27, $0x1;
	_ =	strace $0x80000046;
	[dreg:$0x1] =	wrdreg $0xFFFFFFFF  }
0x1f: {  	s28 =	simm.s32 $_size_execute0_lowered;
	s3 =	sadd.s32 s3, s5;
	[dreg:$0x0] =	wrdreg $0x0  }
0x20: {  	s5 =	sshll.u32 s28, $0x1;
	[dreg:$0x2] =	wrdreg s3  }
0x21: {  	[dreg:$0x3] =	wrdreg s5  }
0x22: {  	[dreg:$0x4] =	wrdreg $0xC0  }
0x23: {  	_ =	task [dreg:s7], $0x5FFFF  }
0x24: {  	[dreg:$0x1] =	wrdreg $0xFFFFFFFF  }
0x25: {  	[dreg:$0x0] =	wrdreg $0x60  }
0x26: {  	[dreg:$0x2] =	wrdreg s25  }
0x27: {  	[dreg:$0x3] =	wrdreg s2  }
0x28: {  	[dreg:$0x4] =	wrdreg $0x9  }
0x29: {  	_ =	task.clear_ibuf [dreg:s7], $0x5FFFF;
	_ =	strace $0x90000046  }
0x2a: {  	s29 =	simm.s32 $0x9;
	_ =	strace $0x80000048  }
0x2b: {  	_ =	swait.ge [sflag:s29], $0x1  }
0x2c: {  	[sflag:s29] =	ssyncadd.s32 $0xFFFFFFFF  }
0x2d: {  	_ =	strace $0x90000048  }
0x2e: {  	_ =	sfence  }
0x2f: {  	s30 =	sld [smem:$0x0];
	_ =	sdelay $0x2  }
0x30: {  	s31 =	sshll.u32 s1, $0xD;
	s1 =	sshrl.u32 s1, $0x2  }
0x31: {  	s3 =	sand.u32 $0x4000, s31;
	s1 =	sadd.s32 s1, s30  }
0x32: {  	s0 =	sor.u32 s3, s0;
	s1 =	sshll.u32 s1, $0x11  }
0x33: {  	s0 =	sor.u32 s1, s0  }
0x34: {  	s0 =	sadd.s32 $0x8F2B, s0  }
0x35: {  	[sflag:s0] =	ssyncadd.remote.s32 $0x1  }
0x36: {  	_ =	sfence.sel $0xFFFF  }
0x37: {  	[dreg:$0x0] =	wrdreg $0xFFFFFFFF;
	(pc) =	sbr.abs _section_cstart, $3  }
0x38: {  	[dreg:$0x1] =	wrdreg $0xFFFFFFFF  }
0x39: {  	_ =	task.clear_ibuf [dreg:s7], $0x2FFFF;
	_ =	strace $0x9FFFFFFF  }
0x3a: {  	(tm) =	ssettm $0x7FFFFFFF  }
0x3b: {  	_ =	shalt  }
tec
execute0_lowered:
.L_overlay_start_1:
0x0: {  	(tag) =	ssettag $0x1  }
0x1: {  	s1 =	rddreg [dreg:$0x0]  }
0x2: {  	s2 =	rddreg [dreg:$0x1]  }
0x3: {  	s0 =	rddreg [dreg:$0x2];
	s4 =	srdreg.scid  }
0x4: {  	_ =	strace $0x80000047;
	s7 =	simm.s32 $0x2;
	s13 =	simm.s32 $0x0  }
0x5: {  	p0 =	por $0x0, $0x0;
	s14 =	simm.s32 $0x0;
	s16 =	simm.s32 $0x0  }
0x6: {  	s15 =	simm.s32 $0x0;
	s9 =	simm.s32 $0x0;
	s10 =	simm.s32 $0x0  }
.Ltmp0:
0x7: {  	s3 =	sadd.s32 $0x600, s1;
	s4 =	sshll.u32 s4, $0x4;
	(pc) =	sbr.rel .LBB1_1-.Ltmp0, $4  }
0x8: {  	s1 =	stileid.u32;
	s5 =	sand.u32 $0x10, s4;
	s4 =	simm.s32 $0x1  }
0x9: {  	s8 =	simm.s32 $0x0;
	s6 =	sor.u32 s1, s5;
	[sflag:s4] =	ssyncpa.u1 $0x0  }
0xa: {  	s5 =	sand.u32 $0x7, s1;
	s6 =	sshrl.u32 s6, $0x3;
	[sflag:s7] =	ssyncpa.u1 $0x0  }
0xb: {  	s7 =	simm.s32 $0x1000;
	s12 =	smov.u32 s5;
	s11 =	smov.u32 s6  }
.LBB1_5:
0xc: {  	s17 =	sadd.s32 $0x80, s9  }
0xd: {  	s13 =	sadd.s32 $0x80, s10;
	s18 =	smov.u32 s10;
	p2 =	sgt.s32 s17, $0x1FF  }
0xe: {  	s18 =	smov.u32 @p2 s13  }
0xf: {  	s19 =	smov.u32 s11;
	s13 =	sadd.s32 $0x4, s11;
	p3 =	sgt.s32 s18, $0x1FF  }
0x10: {  	s19 =	smov.u32 @p3 s13  }
0x11: {  	s20 =	smov.u32 s12;
	s13 =	sadd.s32 $0x8, s12;
	p4 =	sgt.s32 s19, $0x7  }
0x12: {  	p1 =	slt.u32 s8, $0x2;
	s20 =	smov.u32 @p4 s13  }
0x13: {  	s8 =	sadd.s32 $0x1, s8;
	s17 =	simm.s32 @p2 $0x0;
	p2 =	sgt.s32 s20, $0x7  }
0x14: {  	s21 =	simm.s32 @!p1 $0x2;
	s20 =	smov.u32 @p2 s5;
	p2 =	sne.s32 s8, $0x22  }
.Ltmp1:
0x15: {  	s14 =	smov.u32 s10;
	_ =	swait.ge @!p1 [sflag:s21], $0x4000;
	(pc) =	sbr.rel @!p2 .LBB1_6-.Ltmp1, $4  }
0x16: {  	s16 =	smov.u32 s11;
	s15 =	smov.u32 s12;
	[sflag:s21] =	ssyncset.done @!p1 $0x0  }
0x17: {  	p0 =	por !p0, !p0;
	s18 =	simm.s32 @p3 $0x0;
	[sflag:s21] =	ssyncadd.s32 @!p1 $0xFFFFC000  }
0x18: {  	s10 =	smov.u32 s18;
	s19 =	smov.u32 @p4 s6;
	s13 =	smov.u32 s9  }
0x19: {  	s9 =	smov.u32 s17;
	s11 =	smov.u32 s19;
	s12 =	smov.u32 s20  }
.LBB1_1:
0x1a: {  	p1 =	sgt.u32 s8, $0x1F  }
0x1b: {  	s17 =	sxor.u32 @!p1 $0xFFFFFFFF, s8;
	s18 =	sand.u32 @!p1 $0x78, s9;
	s19 =	sshll.u32 @!p1 s10, $0x9  }
0x1c: {  	s20 =	sshll.u32 @!p1 s9, $0x3;
	s21 =	sshll.u32 @!p1 s10, $0x7;
	s17 =	sshll.u32 @!p1 s17, $0xE  }
0x1d: {  	s19 =	sand.u32 @!p1 $0x3F000, s19;
	s20 =	sand.u32 @!p1 $0x3FC00, s20;
	s17 =	sand.u32 @!p1 $0x4000, s17  }
0x1e: {  	s19 =	sadd.s32 @!p1 s19, s20;
	s20 =	sand.u32 @!p1 $0x200, s21;
	s21 =	sand.u32 @!p1 $0x180, s21  }
0x1f: {  	s19 =	sor.u32 @!p1 s20, s19;
	s18 =	sor.u32 @!p1 s18, s21;
	s20 =	sshll.u32 @!p1 s12, $0x12  }
0x20: {  	s21 =	sshll.u32 @!p1 s11, $0xF;
	s19 =	sshrl.u32 @!p1 s19, $0x3;
	s20 =	sadd.s32 @!p1 s3, s20  }
0x21: {  	s18 =	sshrl.u32 @!p1 s18, $0x3;
	s20 =	sadd.s32 @!p1 s21, s20;
	s21 =	sand.u32 @!p1 $0x7, s9  }
0x22: {  	s19 =	sand.u32 @!p1 $0x7FC0, s19;
	s18 =	sadd.s32 @!p1 s18, s20;
	s20 =	sshll.u32 @!p1 s21, $0x12  }
0x23: {  	s18 =	sadd.s32 @!p1 s19, s18;
	s19 =	sor.u32 @!p1 $0x400, s20;
	s20 =	simm.s32 @!p1 $0x1000  }
0x24: {  	[tilespmem:s17], [sflag:$0x1] =	stream.strided.gather @!p1 [hbm4b:s18+s19], $0x4000, s20, s19, $0x38;
	[tilespmem:$0x10000] =	vst v63  }
0x25: {  	p1 =	seq.s32 s8, $0x0  }
0x26: {  	p2 =	seq.s32 @!p1 s8, $0x21  }
0x27: {  	p1 =	por p1, p2  }
.Ltmp2:
0x28: {  	_ = 	snop;
	(pc) =	sbr.rel @p1 .LBB1_5-.Ltmp2, $1  }
0x29: {  	_ =	sdelay $0x3  }
0x2a: {  	s17 =	simm.s32 $0x1  }
0x2b: {  	s17 =	simm.s32 @!p0 $0x0  }
0x2c: {  	s17 =	sshll.u32 s17, $0xE  }
0x2d: {  	s18 =	sor.u32 $0x40, s17  }
0x2e: {  	v1 =	vmov s18;
	_ =	sdelay $0x1  }
0x2f: {  	_ =	swait.ge [sflag:s4], $0x4000  }
0x30: {  	[sflag:s4] =	ssyncset.done $0x0  }
0x31: {  	s19 =	simm.s32 $0x0;
	[sflag:s4] =	ssyncadd.s32 $0xFFFFC000  }
0x32: {  	s17 =	sor.u32 $0x8070, s17;
	v7 =	vld.idx.msk [tilespmem:v1+s19+$0x30 ss:$0x1], $0xffff  }
0x33: {  	v0 =	vmov s17;
	v8 =	vld.idx.msk [tilespmem:v1+s19+$0xFFFFFFC0 ss:$0x1], $0xffff  }
0x34: {  	v6 =	vld.idx.msk [tilespmem:v1+s19+$0xFFFFFFD0 ss:$0x1], $0xffff  }
0x35: {  	v4 =	vld.idx.msk [tilespmem:v1+s19+$0xFFFFFFE0 ss:$0x1], $0xffff  }
0x36: {  	v2 =	vld.idx.msk [tilespmem:v1+s19+$0xFFFFFFF0 ss:$0x1], $0xffff  }
0x37: {  	s31 =	sshll.u32 s8, $0xE;
	v3 =	vld.idx.msk [tilespmem:v1+s19+$0x0 ss:$0x1], $0xffff  }
0x38: {  	s17 =	sand.u32 $0x4000, s31;
	v5 =	vld.idx.msk [tilespmem:v1+s19+$0x10 ss:$0x1], $0xffff;
	[tilespmem:v0+s19+$0x0 ss:$0x1] =	vst.idx.msk $0xffff, v7  }
0x39: {  	s20 =	simm.s32 $0x400;
	s18 =	simm.s32 $0x80;
	s17 =	sor.u32 $0x8000, s17;
	[tilespmem:v0+s19+$0xFFFFFF90 ss:$0x1] =	vst.idx.msk $0xffff, v8;
	v7 =	vld.idx.msk [tilespmem:v1+s19+$0x20 ss:$0x1], $0xffff  }
.LBB1_3:
0x3a: {  	p1 =	sne.s32 s20, $0xFE00;
	v8 =	vld.idx.msk [tilespmem:v1+s18+$0x30 ss:$0x1], $0xffff;
	[tilespmem:v0+s19+$0xFFFFFFA0 ss:$0x1] =	vst.idx.msk $0xffff, v6  }
0x3b: {  	v9 =	vld.idx.msk [tilespmem:v1+s18+$0xFFFFFFC0 ss:$0x1], $0xffff;
	[tilespmem:v0+s19+$0xFFFFFFB0 ss:$0x1] =	vst.idx.msk $0xffff, v4  }
0x3c: {  	v6 =	vld.idx.msk [tilespmem:v1+s18+$0xFFFFFFD0 ss:$0x1], $0xffff;
	[tilespmem:v0+s19+$0xFFFFFFC0 ss:$0x1] =	vst.idx.msk $0xffff, v2  }
.Ltmp3:
0x3d: {  	v4 =	vld.idx.msk [tilespmem:v1+s18+$0xFFFFFFE0 ss:$0x1], $0xffff;
	[tilespmem:v0+s19+$0xFFFFFFD0 ss:$0x1] =	vst.idx.msk $0xffff, v3;
	(pc) =	sbr.rel @p1 .LBB1_3-.Ltmp3, $4  }
0x3e: {  	v2 =	vld.idx.msk [tilespmem:v1+s18+$0xFFFFFFF0 ss:$0x1], $0xffff;
	[tilespmem:v0+s19+$0xFFFFFFE0 ss:$0x1] =	vst.idx.msk $0xffff, v5  }
0x3f: {  	v3 =	vld.idx.msk [tilespmem:v1+s18+$0x0 ss:$0x1], $0xffff;
	[tilespmem:v0+s19+$0xFFFFFFF0 ss:$0x1] =	vst.idx.msk $0xffff, v7;
	s19 =	smov.u32 s18  }
0x40: {  	v5 =	vld.idx.msk [tilespmem:v1+s19+$0x10 ss:$0x1], $0xffff;
	[tilespmem:v0+s19+$0x0 ss:$0x1] =	vst.idx.msk $0xffff, v8  }
0x41: {  	s18 =	sshra.s32 s20, $0x2;
	s20 =	sadd.s32 $0x200, s20;
	[tilespmem:v0+s19+$0xFFFFFF90 ss:$0x1] =	vst.idx.msk $0xffff, v9;
	v7 =	vld.idx.msk [tilespmem:v1+s19+$0x20 ss:$0x1], $0xffff  }
0x42: {  	_ =	sdelay $0x3  }
0x43: {  	[tilespmem:v0+s19+$0xFFFFFFA0 ss:$0x1] =	vst.idx.msk $0xffff, v6  }
0x44: {  	v56 =	vld.idx.msk [tilespmem:v1+s18+$0x30 ss:$0x1], $0xffff;
	[tilespmem:v0+s19+$0xFFFFFFB0 ss:$0x1] =	vst.idx.msk $0xffff, v4  }
0x45: {  	v57 =	vld.idx.msk [tilespmem:v1+s18+$0xFFFFFFC0 ss:$0x1], $0xffff;
	[tilespmem:v0+s19+$0xFFFFFFC0 ss:$0x1] =	vst.idx.msk $0xffff, v2  }
0x46: {  	v58 =	vld.idx.msk [tilespmem:v1+s18+$0xFFFFFFD0 ss:$0x1], $0xffff;
	[tilespmem:v0+s19+$0xFFFFFFD0 ss:$0x1] =	vst.idx.msk $0xffff, v3  }
0x47: {  	v59 =	vld.idx.msk [tilespmem:v1+s18+$0xFFFFFFE0 ss:$0x1], $0xffff;
	[tilespmem:v0+s19+$0xFFFFFFE0 ss:$0x1] =	vst.idx.msk $0xffff, v5  }
0x48: {  	v60 =	vld.idx.msk [tilespmem:v1+s18+$0xFFFFFFF0 ss:$0x1], $0xffff;
	[tilespmem:v0+s19+$0xFFFFFFF0 ss:$0x1] =	vst.idx.msk $0xffff, v7  }
0x49: {  	v61 =	vld.idx.msk [tilespmem:v1+s18+$0x0 ss:$0x1], $0xffff;
	[tilespmem:v0+s18+$0x0 ss:$0x1] =	vst.idx.msk $0xffff, v56  }
0x4a: {  	v62 =	vld.idx.msk [tilespmem:v1+s18+$0x10 ss:$0x1], $0xffff;
	[tilespmem:v0+s18+$0xFFFFFF90 ss:$0x1] =	vst.idx.msk $0xffff, v57  }
0x4b: {  	s16 =	sshll.u32 s16, $0x7;
	v63 =	vld.idx.msk [tilespmem:v1+s18+$0x20 ss:$0x1], $0xffff;
	s29 =	sand.u32 $0x78, s13;
	s30 =	sshll.u32 s13, $0x3;
	[tilespmem:v0+s18+$0xFFFFFFA0 ss:$0x1] =	vst.idx.msk $0xffff, v58  }
0x4c: {  	s15 =	sshll.u32 s15, $0x12;
	s14 =	sshll.u32 s14, $0x9;
	s16 =	sand.u32 $0x380, s16;
	[tilespmem:v0+s18+$0xFFFFFFB0 ss:$0x1] =	vst.idx.msk $0xffff, v59  }
.Ltmp4:
0x4d: {  	s16 =	sor.u32 s29, s16;
	s19 =	sand.u32 $0xC00, s30;
	[tilespmem:v0+s18+$0xFFFFFFC0 ss:$0x1] =	vst.idx.msk $0xffff, v60;
	(pc) =	sbr.rel .LBB1_5-.Ltmp4, $4  }
0x4e: {  	s31 =	sand.u32 $0x7, s13;
	s15 =	sadd.s32 s2, s15;
	[tilespmem:v0+s18+$0xFFFFFFD0 ss:$0x1] =	vst.idx.msk $0xffff, v61;
	s16 =	sor.u32 s19, s16  }
0x4f: {  	s13 =	sshll.u32 s31, $0x12;
	s14 =	sadd.s32 s14, s15;
	[tilespmem:v0+s18+$0xFFFFFFE0 ss:$0x1] =	vst.idx.msk $0xffff, v62;
	s16 =	sshrl.u32 s16, $0x3  }
0x50: {  	s13 =	sor.u32 $0x80, s13;
	[tilespmem:v0+s18+$0xFFFFFFF0 ss:$0x1] =	vst.idx.msk $0xffff, v63;
	s14 =	sadd.s32 s16, s14  }
0x51: {  	[hbm4b:s14+s13] =	stream.strided.scatter [tilespmem:s17], [sflag:$0x2], $0x4000, s7, s13, $0x38;
	[tilespmem:$0x10000] =	vst v63  }
.LBB1_6:
0x52: {  	_ =	sfence.sel $0x180000  }
0x53: {  	s2 =	simm.s32 $0x1;
	[bflag:$0x0] =	sbarrier.arrive $0xFFFF  }
0x54: {  	s31 =	simm.s32 $0x2;
	[sflag:s2] =	ssyncpa.u1 $0x1  }
0x55: {  	[sflag:s31] =	ssyncpa.u1 $0x1  }
0x56: {  	p0 =	sne.s32 s1, $0x0;
	_ =	strace $0x90000047  }
0x57: {  	s0 =	sadd.s32 @!p0 $0x100000, s0;
	[bflag:$0x2] =	sbarrier.arrive $0xFFFF  }
0x58: {  	[sflag:s0] =	ssyncadd.tile.s32 @!p0 $0x1;
	_ =	shalt  }
.Lfunc_end1:
_tile_overlayer_lowered:
.L_overlay_start_2:
0x59: {  	(tag) =	ssettag $0x2  }
0x5a: {  	s0 =	rddreg [dreg:$0x0];
	s2 =	stileid.u32  }
0x5b: {  	s1 =	rddreg [dreg:$0x1];
	p0 =	sne.s32 s2, $0x0  }
0x5c: {  	s3 =	rddreg [dreg:$0x2];
	[bflag:$0x3] =	sbarrier.arrive $0xFFFF;
	s2 =	simm.s32 @!p0 $0x1C01  }
0x5d: {  	[timem:s3], [sflag:s2] =	dma.local @!p0 [hbm:s0], s1  }
0x5e: {  	s0 =	simm.s32 @!p0 $0x1  }
0x5f: {  	_ =	swait.ge @!p0 [sflag:s0], s1  }
0x60: {  	s1 =	ssub.s32 @!p0 $0x0, s1;
	[sflag:s0] =	ssyncset.done @!p0 $0x0  }
0x61: {  	[sflag:s0] =	ssyncadd.s32 @!p0 s1  }
0x62: {  	[bflag:$0x3] =	sbarrier.arrive $0xFFFF  }
0x63: {  	_ =	shalt  }

</sc_bundles>
